<compile_context>
chip_gen: v7x
topology: tpu7x:2x2x1
jax: 0.10.2.dev20260603
libtpu: 0.0.44.dev20260713+nightly
codegen_flags: <defaults>
</compile_context>

<pallas_src>
import functools

import jax
import jax.numpy as jnp
from jax import lax
from jax.experimental import pallas as pl
from jax.experimental.pallas import tpu as pltpu
from jax.experimental.pallas import tpu_sc as plsc

N = 10000
D = 128
E = 320000

NT = 16
CH = 128
IB = 32
NB = 5
CPT = IB * NB
E_PAD = NT * CPT * CH
N_PAD = 10240
RPT = N_PAD // NT
DUMMY = N_PAD - 8

MM_BLK = 400
PB_BLK = 512


def _matmul_pair(seq1, seq2, w, b):
  def body(s1, s2, w_ref, b_ref, o1, o2):
    wv = w_ref[...]
    bv = b_ref[...]
    o1[...] = jnp.dot(s1[...], wv, preferred_element_type=jnp.float32) + bv
    o2[...] = jnp.dot(s2[...], wv, preferred_element_type=jnp.float32) + bv

  grid = N // MM_BLK
  return pl.pallas_call(
      body,
      grid=(grid,),
      in_specs=[
          pl.BlockSpec((MM_BLK, D), lambda i: (i, 0)),
          pl.BlockSpec((MM_BLK, D), lambda i: (i, 0)),
          pl.BlockSpec((D, D), lambda i: (0, 0)),
          pl.BlockSpec((1, D), lambda i: (0, 0)),
      ],
      out_specs=[
          pl.BlockSpec((MM_BLK, D), lambda i: (i, 0)),
          pl.BlockSpec((MM_BLK, D), lambda i: (i, 0)),
      ],
      out_shape=[
          jax.ShapeDtypeStruct((N, D), jnp.float32),
          jax.ShapeDtypeStruct((N, D), jnp.float32),
      ],
  )(seq1, seq2, w, b.reshape(1, D))


def _sc_body(pre1, pre2, srch, dsth, out1, out2,
             src_v, dst_v, rows0, rows1, sem0, sem1, acc):
  s = lax.axis_index("s")
  c = lax.axis_index("c")

  zv = jnp.zeros((16,), jnp.float32)
  @pl.loop(0, CH)
  def _zero_rows(r):
    for k in range(D // 16):
      rows0[r, pl.ds(k * 16, 16)] = zv
  for k in range(RPT // CH):
    pltpu.sync_copy(rows0, acc.at[pl.ds(s * RPT + k * CH, CH)])
  plsc.subcore_barrier()

  def run(pre, out):
    @pl.loop(0, NB)
    def _blocks(ib):
      pltpu.sync_copy(srch.at[s, pl.ds(ib * IB, IB)], src_v)
      pltpu.sync_copy(dsth.at[s, pl.ds(ib * IB, IB)], dst_v)

      pltpu.async_copy(pre.at[src_v.at[0]], rows0, sem0)

      @pl.loop(0, IB, step=2)
      def _chunks(j):
        pltpu.make_async_copy(pre.at[src_v.at[j]], rows0, sem0).wait()
        pltpu.async_copy(pre.at[src_v.at[j + 1]], rows1, sem1)
        pltpu.sync_copy(rows0, acc.at[dst_v.at[j]], add=True)
        pltpu.make_async_copy(pre.at[src_v.at[j]], rows1, sem1).wait()
        @pl.when(j + 2 < IB)
        def _():
          pltpu.async_copy(pre.at[src_v.at[j + 2]], rows0, sem0)
        pltpu.sync_copy(rows1, acc.at[dst_v.at[j + 1]], add=True)

    plsc.subcore_barrier()
    for k in range(RPT // CH):
      pltpu.sync_copy(acc.at[pl.ds(s * RPT + k * CH, CH)], rows0)
      pltpu.sync_copy(rows0, out.at[pl.ds(s * RPT + k * CH, CH)])

  @pl.when(c == 0)
  def _():
    run(pre1, out1)

  @pl.when(c == 1)
  def _():
    run(pre2, out2)


def _sc_segsum(pre1, pre2, src_p, dst_p):
  mesh = plsc.VectorSubcoreMesh(core_axis_name="c", subcore_axis_name="s")
  return pl.kernel(
      _sc_body,
      out_type=[
          jax.ShapeDtypeStruct((N_PAD, D), jnp.float32),
          jax.ShapeDtypeStruct((N_PAD, D), jnp.float32),
      ],
      mesh=mesh,
      scratch_types=[
          pltpu.VMEM((IB, CH), jnp.int32),
          pltpu.VMEM((IB, CH), jnp.int32),
          pltpu.VMEM((CH, D), jnp.float32),
          pltpu.VMEM((CH, D), jnp.float32),
          pltpu.SemaphoreType.DMA,
          pltpu.SemaphoreType.DMA,
          pltpu.VMEM_SHARED((N_PAD, D), jnp.float32),
      ],
  )(pre1, pre2, src_p, dst_p)


def _summary_wc(agg1, w_disc):
  grid = N_PAD // PB_BLK

  def body(a1, wd, wc_out, acc):
    i = pl.program_id(0)

    @pl.when(i == 0)
    def _():
      acc[...] = jnp.zeros_like(acc)

    h = a1[...]
    h = jnp.where(h > 0, h, 0.25 * h)
    rid = i * PB_BLK + lax.broadcasted_iota(jnp.int32, (PB_BLK, D), 0)
    h = jnp.where(rid < N, h, 0.0)
    acc[...] += jnp.sum(h, axis=0, keepdims=True)

    @pl.when(i == grid - 1)
    def _():
      cs = acc[...] / jnp.float32(N)
      cs = 1.0 / (1.0 + jnp.exp(-cs))
      wc = jnp.dot(wd[...], cs.reshape(D, 1), preferred_element_type=jnp.float32)
      wc_out[...] = wc.reshape(1, D)

  return pl.pallas_call(
      body,
      grid=(grid,),
      in_specs=[
          pl.BlockSpec((PB_BLK, D), lambda i: (i, 0)),
          pl.BlockSpec((D, D), lambda i: (0, 0)),
      ],
      out_specs=pl.BlockSpec((1, D), lambda i: (0, 0)),
      out_shape=jax.ShapeDtypeStruct((1, D), jnp.float32),
      scratch_shapes=[pltpu.VMEM((1, D), jnp.float32)],
  )(agg1, w_disc)


def _scores(agg1, agg2, wc, b_disc):
  grid = N_PAD // PB_BLK

  def body(a1, a2, wc_ref, b_ref, o1, o2):
    w = wc_ref[...]
    bv = b_ref[0, 0]

    def sc(a):
      h = a[...]
      h = jnp.where(h > 0, h, 0.25 * h)
      return jnp.sum(h * w, axis=1).reshape(1, 1, PB_BLK) + bv

    o1[...] = sc(a1)
    o2[...] = sc(a2)

  return pl.pallas_call(
      body,
      grid=(grid,),
      in_specs=[
          pl.BlockSpec((PB_BLK, D), lambda i: (i, 0)),
          pl.BlockSpec((PB_BLK, D), lambda i: (i, 0)),
          pl.BlockSpec((1, D), lambda i: (0, 0)),
          pl.BlockSpec((1, 1), lambda i: (0, 0)),
      ],
      out_specs=[
          pl.BlockSpec((1, 1, PB_BLK), lambda i: (i, 0, 0)),
          pl.BlockSpec((1, 1, PB_BLK), lambda i: (i, 0, 0)),
      ],
      out_shape=[
          jax.ShapeDtypeStruct((grid, 1, PB_BLK), jnp.float32),
          jax.ShapeDtypeStruct((grid, 1, PB_BLK), jnp.float32),
      ],
  )(agg1, agg2, wc, b_disc.reshape(1, 1))


def kernel(seq1, seq2, adj, W_gcn, b_gcn, W_disc, b_disc):
  src = adj[0]
  dst = adj[1]
  pad = E_PAD - E
  src_p = jnp.concatenate([src, jnp.zeros((pad,), jnp.int32)]).reshape(NT, CPT, CH)
  dst_p = jnp.concatenate([dst, jnp.full((pad,), DUMMY, jnp.int32)]).reshape(NT, CPT, CH)

  pre1, pre2 = _matmul_pair(seq1, seq2, W_gcn, b_gcn)
  agg1, agg2 = _sc_segsum(pre1, pre2, src_p, dst_p)
  wc = _summary_wc(agg1, W_disc)
  s1, s2 = _scores(agg1, agg2, wc, b_disc)
  return jnp.concatenate([s1.reshape(-1)[:N], s2.reshape(-1)[:N]], axis=0)

# --- scband reference (transcript-rebuilt; emitter-appended) ---
"""Pipeline reference for scband-dgi-7241314861554 (READ-ONLY COPY).

The authoritative reference and input builder live on the scoring server;
editing this copy changes nothing except your own understanding.
"""

import jax, jax.numpy as jnp
import numpy as np

N = 10000
E = 320000
D = 128


def setup_inputs(seed: int = 0) -> dict:
    key = jax.random.key(seed)
    k1, k2, k3, k4, k5, k6, k7 = jax.random.split(key, 7)
    seq1 = jax.random.normal(k1, (N, D), dtype=jnp.float32)
    seq2 = jax.random.normal(k2, (N, D), dtype=jnp.float32)
    adj = jax.random.randint(k3, (2, E), 0, N, dtype=jnp.int32)
    # learned params: GCN weight/bias, Discriminator bilinear weight/bias
    W_gcn = jax.random.normal(k4, (D, D), dtype=jnp.float32) * (1.0 / np.sqrt(D))
    b_gcn = jnp.zeros((D,), dtype=jnp.float32)
    W_disc = jax.random.normal(k5, (D, D), dtype=jnp.float32) * (1.0 / np.sqrt(D))
    b_disc = jnp.zeros((1,), dtype=jnp.float32)
    return {"seq1": seq1, "seq2": seq2, "adj": adj, "W_gcn": W_gcn, "b_gcn": b_gcn, "W_disc": W_disc, "b_disc": b_disc}


def reference(seq1, seq2, adj, W_gcn, b_gcn, W_disc, b_disc):
    src = adj[0]
    dst = adj[1]

    def gcn(x):
        # GCN_org: aggregate A @ (X W) + b via gather + scatter-add over edges
        pre = x @ W_gcn + b_gcn
        msg = jnp.take(pre, src, axis=0)
        agg = jax.ops.segment_sum(msg, dst, num_segments=N)
        return agg

    def act(h):
        # act_layer(activation, neg_slope=0.25) -> leaky relu with slope 0.25
        return jnp.where(h > 0, h, 0.25 * h)

    h_1 = act(gcn(seq1))
    # AvgReadout: mean over nodes
    c = jnp.mean(h_1, axis=0)
    # sigmoid
    c = jax.nn.sigmoid(c)
    h_2 = act(gcn(seq2))
    # Discriminator: bilinear scores vs summary c for positive (h_1) and negative (h_2)
    wc = W_disc @ c
    sc_1 = h_1 @ wc + b_disc[0]
    sc_2 = h_2 @ wc + b_disc[0]
    ret = jnp.concatenate([sc_1, sc_2], axis=0)
    return ret

if __name__ == "__main__":
    import jax
    _d = setup_inputs()
    print(jax.jit(kernel)(*tuple(_d.values())))

</pallas_src>

<mosaic_0001>
#map = affine_map<(d0, d1) -> (0, 0)>
#map1 = affine_map<(d0, d1) -> (0, 0, 0)>
module attributes {stable_mosaic.version = 14 : i64} {
  func.func @_sc_body(%arg0: i32, %arg1: i32, %arg2: memref<10000x128xf32, #tpu.memory_space<hbm>>, %arg3: memref<10000x128xf32, #tpu.memory_space<hbm>>, %arg4: memref<16x160x128xi32, #tpu.memory_space<hbm>>, %arg5: memref<16x160x128xi32, #tpu.memory_space<hbm>>, %arg6: memref<10240x128xf32, #tpu.memory_space<hbm>>, %arg7: memref<10240x128xf32, #tpu.memory_space<hbm>>, %arg8: memref<32x128xi32, #tpu.memory_space<vmem>>, %arg9: memref<32x128xi32, #tpu.memory_space<vmem>>, %arg10: memref<128x128xf32, #tpu.memory_space<vmem>>, %arg11: memref<128x128xf32, #tpu.memory_space<vmem>>, %arg12: memref<!tpu.dma_semaphore, #tpu.memory_space<semaphore_mem>>, %arg13: memref<!tpu.dma_semaphore, #tpu.memory_space<semaphore_mem>>, %arg14: memref<10240x128xf32, #tpu.memory_space<vmem_shared>>) attributes {dimension_semantics = [#tpu.dimension_semantics<core_parallel>, #tpu.dimension_semantics<subcore_parallel>], iteration_bounds = array<i64: 2, 16>, scalar_prefetch = 0 : i64, scratch_operands = 7 : i64, tpu.core_type = #tpu.core_type<sc_vector_subcore>, window_params = [{transform_indices = #map}, {transform_indices = #map}, {transform_indices = #map1}, {transform_indices = #map1}, {transform_indices = #map}, {transform_indices = #map}]} {
    %broadcast_in_dim3A = arith.constant 0.000000e+00 : f32
    %broadcast_in_dim3A_0 = vector.broadcast %broadcast_in_dim3A : f32 to vector<16xf32>
    %scan3A = arith.constant 0 : i32
    %scan3A_1 = arith.constant 128 : i32
    %scan3A_2 = arith.addi %scan3A, %scan3A_1 : i32
    %scan3A_3 = arith.constant 1 : i32
    scf.for %scan3A_30 = %scan3A to %scan3A_2 step %scan3A_3  : i32 {
      %mul3A_31 = arith.constant 1 : i32
      %mul3A_32 = arith.muli %scan3A_30, %mul3A_31 : i32
      %add3A_33 = arith.constant 0 : i32
      %add3A_34 = arith.addi %add3A_33, %mul3A_32 : i32
      %swap3A = arith.index_cast %add3A_34 : i32 to index
      %swap3A_35 = arith.constant 0 : index
      %swap3A_36 = tpu.vector_load %arg10[%swap3A, %swap3A_35] {strides = array<i32>} : memref<128x128xf32, #tpu.memory_space<vmem>>, vector<1x16xf32>,
      %swap3A_37 = vector.shape_cast %swap3A_36 : vector<1x16xf32> to vector<16xf32>
      %swap3A_38 = vector.shape_cast %broadcast_in_dim3A_0 : vector<16xf32> to vector<1x16xf32>
      tpu.vector_store %arg10[%swap3A, %swap3A_35], %swap3A_38 {strides = array<i32>} : memref<128x128xf32, #tpu.memory_space<vmem>>, vector<1x16xf32>,
      %swap3A_39 = arith.index_cast %add3A_34 : i32 to index
      %swap3A_40 = arith.constant 16 : index
      %swap3A_41 = tpu.vector_load %arg10[%swap3A_39, %swap3A_40] {strides = array<i32>} : memref<128x128xf32, #tpu.memory_space<vmem>>, vector<1x16xf32>,
      %swap3A_42 = vector.shape_cast %swap3A_41 : vector<1x16xf32> to vector<16xf32>
      %swap3A_43 = vector.shape_cast %broadcast_in_dim3A_0 : vector<16xf32> to vector<1x16xf32>
      tpu.vector_store %arg10[%swap3A_39, %swap3A_40], %swap3A_43 {strides = array<i32>} : memref<128x128xf32, #tpu.memory_space<vmem>>, vector<1x16xf32>,
      %swap3A_44 = arith.index_cast %add3A_34 : i32 to index
      %swap3A_45 = arith.constant 32 : index
      %swap3A_46 = tpu.vector_load %arg10[%swap3A_44, %swap3A_45] {strides = array<i32>} : memref<128x128xf32, #tpu.memory_space<vmem>>, vector<1x16xf32>,
      %swap3A_47 = vector.shape_cast %swap3A_46 : vector<1x16xf32> to vector<16xf32>
      %swap3A_48 = vector.shape_cast %broadcast_in_dim3A_0 : vector<16xf32> to vector<1x16xf32>
      tpu.vector_store %arg10[%swap3A_44, %swap3A_45], %swap3A_48 {strides = array<i32>} : memref<128x128xf32, #tpu.memory_space<vmem>>, vector<1x16xf32>,
      %swap3A_49 = arith.index_cast %add3A_34 : i32 to index
      %swap3A_50 = arith.constant 48 : index
      %swap3A_51 = tpu.vector_load %arg10[%swap3A_49, %swap3A_50] {strides = array<i32>} : memref<128x128xf32, #tpu.memory_space<vmem>>, vector<1x16xf32>,
      %swap3A_52 = vector.shape_cast %swap3A_51 : vector<1x16xf32> to vector<16xf32>
      %swap3A_53 = vector.shape_cast %broadcast_in_dim3A_0 : vector<16xf32> to vector<1x16xf32>
      tpu.vector_store %arg10[%swap3A_49, %swap3A_50], %swap3A_53 {strides = array<i32>} : memref<128x128xf32, #tpu.memory_space<vmem>>, vector<1x16xf32>,
      %swap3A_54 = arith.index_cast %add3A_34 : i32 to index
      %swap3A_55 = arith.constant 64 : index
      %swap3A_56 = tpu.vector_load %arg10[%swap3A_54, %swap3A_55] {strides = array<i32>} : memref<128x128xf32, #tpu.memory_space<vmem>>, vector<1x16xf32>,
      %swap3A_57 = vector.shape_cast %swap3A_56 : vector<1x16xf32> to vector<16xf32>
      %swap3A_58 = vector.shape_cast %broadcast_in_dim3A_0 : vector<16xf32> to vector<1x16xf32>
      tpu.vector_store %arg10[%swap3A_54, %swap3A_55], %swap3A_58 {strides = array<i32>} : memref<128x128xf32, #tpu.memory_space<vmem>>, vector<1x16xf32>,
      %swap3A_59 = arith.index_cast %add3A_34 : i32 to index
      %swap3A_60 = arith.constant 80 : index
      %swap3A_61 = tpu.vector_load %arg10[%swap3A_59, %swap3A_60] {strides = array<i32>} : memref<128x128xf32, #tpu.memory_space<vmem>>, vector<1x16xf32>,
      %swap3A_62 = vector.shape_cast %swap3A_61 : vector<1x16xf32> to vector<16xf32>
      %swap3A_63 = vector.shape_cast %broadcast_in_dim3A_0 : vector<16xf32> to vector<1x16xf32>
      tpu.vector_store %arg10[%swap3A_59, %swap3A_60], %swap3A_63 {strides = array<i32>} : memref<128x128xf32, #tpu.memory_space<vmem>>, vector<1x16xf32>,
      %swap3A_64 = arith.index_cast %add3A_34 : i32 to index
      %swap3A_65 = arith.constant 96 : index
      %swap3A_66 = tpu.vector_load %arg10[%swap3A_64, %swap3A_65] {strides = array<i32>} : memref<128x128xf32, #tpu.memory_space<vmem>>, vector<1x16xf32>,
      %swap3A_67 = vector.shape_cast %swap3A_66 : vector<1x16xf32> to vector<16xf32>
      %swap3A_68 = vector.shape_cast %broadcast_in_dim3A_0 : vector<16xf32> to vector<1x16xf32>
      tpu.vector_store %arg10[%swap3A_64, %swap3A_65], %swap3A_68 {strides = array<i32>} : memref<128x128xf32, #tpu.memory_space<vmem>>, vector<1x16xf32>,
      %swap3A_69 = arith.index_cast %add3A_34 : i32 to index
      %swap3A_70 = arith.constant 112 : index
      %swap3A_71 = tpu.vector_load %arg10[%swap3A_69, %swap3A_70] {strides = array<i32>} : memref<128x128xf32, #tpu.memory_space<vmem>>, vector<1x16xf32>,
      %swap3A_72 = vector.shape_cast %swap3A_71 : vector<1x16xf32> to vector<16xf32>
      %swap3A_73 = vector.shape_cast %broadcast_in_dim3A_0 : vector<16xf32> to vector<1x16xf32>
      tpu.vector_store %arg10[%swap3A_69, %swap3A_70], %swap3A_73 {strides = array<i32>} : memref<128x128xf32, #tpu.memory_space<vmem>>, vector<1x16xf32>,
    }
    %scan3A_4 = arith.constant 128 : i32
    %mul3A = arith.constant 640 : i32
    %mul3A_5 = arith.muli %arg1, %mul3A : i32
    %add3A = arith.constant 0 : i32
    %add3A_6 = arith.addi %mul3A_5, %add3A : i32
    "tpu.region"() ({
      %run_scoped3A = tpu.sem_alloc : memref<!tpu.dma_semaphore, #tpu.memory_space<semaphore_mem>>
      %dma_start3A = arith.constant 0 : i32
      %dma_start3A_30 = tpu.memref_slice %arg14[%add3A_6, %dma_start3A] : memref<10240x128xf32, #tpu.memory_space<vmem_shared>> -> memref<128x128xf32, #tpu.memory_space<vmem_shared>>
      %dma_start3A_31 = arith.constant 0 : i32
      %dma_start3A_32 = tpu.memref_slice %arg14[%add3A_6, %dma_start3A_31] : memref<10240x128xf32, #tpu.memory_space<vmem_shared>> -> memref<128x128xf32, #tpu.memory_space<vmem_shared>>
      tpu.enqueue_dma source(%arg10 : memref<128x128xf32, #tpu.memory_space<vmem>>) target(%dma_start3A_32 : memref<128x128xf32, #tpu.memory_space<vmem_shared>>) target_semaphore(%run_scoped3A : memref<!tpu.dma_semaphore, #tpu.memory_space<semaphore_mem>>)
      %dma_wait3A = arith.constant 0 : i32
      %dma_wait3A_33 = tpu.memref_slice %arg14[%add3A_6, %dma_wait3A] : memref<10240x128xf32, #tpu.memory_space<vmem_shared>> -> memref<128x128xf32, #tpu.memory_space<vmem_shared>>
      %dma_wait3A_34 = arith.constant 0 : i32
      %dma_wait3A_35 = tpu.memref_slice %arg14[%add3A_6, %dma_wait3A_34] : memref<10240x128xf32, #tpu.memory_space<vmem_shared>> -> memref<128x128xf32, #tpu.memory_space<vmem_shared>>
      tpu.wait_dma2 semaphore(%run_scoped3A : memref<!tpu.dma_semaphore, #tpu.memory_space<semaphore_mem>>) src(%arg10 : memref<128x128xf32, #tpu.memory_space<vmem>>) dst(%dma_wait3A_35 : memref<128x128xf32, #tpu.memory_space<vmem_shared>>)
      tpu.yield
    }) : () -> ()
    %mul3A_7 = arith.constant 640 : i32
    %mul3A_8 = arith.muli %arg1, %mul3A_7 : i32
    %add3A_9 = arith.constant 128 : i32
    %add3A_10 = arith.addi %mul3A_8, %add3A_9 : i32
    "tpu.region"() ({
      %run_scoped3A = tpu.sem_alloc : memref<!tpu.dma_semaphore, #tpu.memory_space<semaphore_mem>>
      %dma_start3A = arith.constant 0 : i32
      %dma_start3A_30 = tpu.memref_slice %arg14[%add3A_10, %dma_start3A] : memref<10240x128xf32, #tpu.memory_space<vmem_shared>> -> memref<128x128xf32, #tpu.memory_space<vmem_shared>>
      %dma_start3A_31 = arith.constant 0 : i32
      %dma_start3A_32 = tpu.memref_slice %arg14[%add3A_10, %dma_start3A_31] : memref<10240x128xf32, #tpu.memory_space<vmem_shared>> -> memref<128x128xf32, #tpu.memory_space<vmem_shared>>
      tpu.enqueue_dma source(%arg10 : memref<128x128xf32, #tpu.memory_space<vmem>>) target(%dma_start3A_32 : memref<128x128xf32, #tpu.memory_space<vmem_shared>>) target_semaphore(%run_scoped3A : memref<!tpu.dma_semaphore, #tpu.memory_space<semaphore_mem>>)
      %dma_wait3A = arith.constant 0 : i32
      %dma_wait3A_33 = tpu.memref_slice %arg14[%add3A_10, %dma_wait3A] : memref<10240x128xf32, #tpu.memory_space<vmem_shared>> -> memref<128x128xf32, #tpu.memory_space<vmem_shared>>
      %dma_wait3A_34 = arith.constant 0 : i32
      %dma_wait3A_35 = tpu.memref_slice %arg14[%add3A_10, %dma_wait3A_34] : memref<10240x128xf32, #tpu.memory_space<vmem_shared>> -> memref<128x128xf32, #tpu.memory_space<vmem_shared>>
      tpu.wait_dma2 semaphore(%run_scoped3A : memref<!tpu.dma_semaphore, #tpu.memory_space<semaphore_mem>>) src(%arg10 : memref<128x128xf32, #tpu.memory_space<vmem>>) dst(%dma_wait3A_35 : memref<128x128xf32, #tpu.memory_space<vmem_shared>>)
      tpu.yield
    }) : () -> ()
    %mul3A_11 = arith.constant 640 : i32
    %mul3A_12 = arith.muli %arg1, %mul3A_11 : i32
    %add3A_13 = arith.constant 256 : i32
    %add3A_14 = arith.addi %mul3A_12, %add3A_13 : i32
    "tpu.region"() ({
      %run_scoped3A = tpu.sem_alloc : memref<!tpu.dma_semaphore, #tpu.memory_space<semaphore_mem>>
      %dma_start3A = arith.constant 0 : i32
      %dma_start3A_30 = tpu.memref_slice %arg14[%add3A_14, %dma_start3A] : memref<10240x128xf32, #tpu.memory_space<vmem_shared>> -> memref<128x128xf32, #tpu.memory_space<vmem_shared>>
      %dma_start3A_31 = arith.constant 0 : i32
      %dma_start3A_32 = tpu.memref_slice %arg14[%add3A_14, %dma_start3A_31] : memref<10240x128xf32, #tpu.memory_space<vmem_shared>> -> memref<128x128xf32, #tpu.memory_space<vmem_shared>>
      tpu.enqueue_dma source(%arg10 : memref<128x128xf32, #tpu.memory_space<vmem>>) target(%dma_start3A_32 : memref<128x128xf32, #tpu.memory_space<vmem_shared>>) target_semaphore(%run_scoped3A : memref<!tpu.dma_semaphore, #tpu.memory_space<semaphore_mem>>)
      %dma_wait3A = arith.constant 0 : i32
      %dma_wait3A_33 = tpu.memref_slice %arg14[%add3A_14, %dma_wait3A] : memref<10240x128xf32, #tpu.memory_space<vmem_shared>> -> memref<128x128xf32, #tpu.memory_space<vmem_shared>>
      %dma_wait3A_34 = arith.constant 0 : i32
      %dma_wait3A_35 = tpu.memref_slice %arg14[%add3A_14, %dma_wait3A_34] : memref<10240x128xf32, #tpu.memory_space<vmem_shared>> -> memref<128x128xf32, #tpu.memory_space<vmem_shared>>
      tpu.wait_dma2 semaphore(%run_scoped3A : memref<!tpu.dma_semaphore, #tpu.memory_space<semaphore_mem>>) src(%arg10 : memref<128x128xf32, #tpu.memory_space<vmem>>) dst(%dma_wait3A_35 : memref<128x128xf32, #tpu.memory_space<vmem_shared>>)
      tpu.yield
    }) : () -> ()
    %mul3A_15 = arith.constant 640 : i32
    %mul3A_16 = arith.muli %arg1, %mul3A_15 : i32
    %add3A_17 = arith.constant 384 : i32
    %add3A_18 = arith.addi %mul3A_16, %add3A_17 : i32
    "tpu.region"() ({
      %run_scoped3A = tpu.sem_alloc : memref<!tpu.dma_semaphore, #tpu.memory_space<semaphore_mem>>
      %dma_start3A = arith.constant 0 : i32
      %dma_start3A_30 = tpu.memref_slice %arg14[%add3A_18, %dma_start3A] : memref<10240x128xf32, #tpu.memory_space<vmem_shared>> -> memref<128x128xf32, #tpu.memory_space<vmem_shared>>
      %dma_start3A_31 = arith.constant 0 : i32
      %dma_start3A_32 = tpu.memref_slice %arg14[%add3A_18, %dma_start3A_31] : memref<10240x128xf32, #tpu.memory_space<vmem_shared>> -> memref<128x128xf32, #tpu.memory_space<vmem_shared>>
      tpu.enqueue_dma source(%arg10 : memref<128x128xf32, #tpu.memory_space<vmem>>) target(%dma_start3A_32 : memref<128x128xf32, #tpu.memory_space<vmem_shared>>) target_semaphore(%run_scoped3A : memref<!tpu.dma_semaphore, #tpu.memory_space<semaphore_mem>>)
      %dma_wait3A = arith.constant 0 : i32
      %dma_wait3A_33 = tpu.memref_slice %arg14[%add3A_18, %dma_wait3A] : memref<10240x128xf32, #tpu.memory_space<vmem_shared>> -> memref<128x128xf32, #tpu.memory_space<vmem_shared>>
      %dma_wait3A_34 = arith.constant 0 : i32
      %dma_wait3A_35 = tpu.memref_slice %arg14[%add3A_18, %dma_wait3A_34] : memref<10240x128xf32, #tpu.memory_space<vmem_shared>> -> memref<128x128xf32, #tpu.memory_space<vmem_shared>>
      tpu.wait_dma2 semaphore(%run_scoped3A : memref<!tpu.dma_semaphore, #tpu.memory_space<semaphore_mem>>) src(%arg10 : memref<128x128xf32, #tpu.memory_space<vmem>>) dst(%dma_wait3A_35 : memref<128x128xf32, #tpu.memory_space<vmem_shared>>)
      tpu.yield
    }) : () -> ()
    %mul3A_19 = arith.constant 640 : i32
    %mul3A_20 = arith.muli %arg1, %mul3A_19 : i32
    %add3A_21 = arith.constant 512 : i32
    %add3A_22 = arith.addi %mul3A_20, %add3A_21 : i32
    "tpu.region"() ({
      %run_scoped3A = tpu.sem_alloc : memref<!tpu.dma_semaphore, #tpu.memory_space<semaphore_mem>>
      %dma_start3A = arith.constant 0 : i32
      %dma_start3A_30 = tpu.memref_slice %arg14[%add3A_22, %dma_start3A] : memref<10240x128xf32, #tpu.memory_space<vmem_shared>> -> memref<128x128xf32, #tpu.memory_space<vmem_shared>>
      %dma_start3A_31 = arith.constant 0 : i32
      %dma_start3A_32 = tpu.memref_slice %arg14[%add3A_22, %dma_start3A_31] : memref<10240x128xf32, #tpu.memory_space<vmem_shared>> -> memref<128x128xf32, #tpu.memory_space<vmem_shared>>
      tpu.enqueue_dma source(%arg10 : memref<128x128xf32, #tpu.memory_space<vmem>>) target(%dma_start3A_32 : memref<128x128xf32, #tpu.memory_space<vmem_shared>>) target_semaphore(%run_scoped3A : memref<!tpu.dma_semaphore, #tpu.memory_space<semaphore_mem>>)
      %dma_wait3A = arith.constant 0 : i32
      %dma_wait3A_33 = tpu.memref_slice %arg14[%add3A_22, %dma_wait3A] : memref<10240x128xf32, #tpu.memory_space<vmem_shared>> -> memref<128x128xf32, #tpu.memory_space<vmem_shared>>
      %dma_wait3A_34 = arith.constant 0 : i32
      %dma_wait3A_35 = tpu.memref_slice %arg14[%add3A_22, %dma_wait3A_34] : memref<10240x128xf32, #tpu.memory_space<vmem_shared>> -> memref<128x128xf32, #tpu.memory_space<vmem_shared>>
      tpu.wait_dma2 semaphore(%run_scoped3A : memref<!tpu.dma_semaphore, #tpu.memory_space<semaphore_mem>>) src(%arg10 : memref<128x128xf32, #tpu.memory_space<vmem>>) dst(%dma_wait3A_35 : memref<128x128xf32, #tpu.memory_space<vmem_shared>>)
      tpu.yield
    }) : () -> ()
    %barrier3A = arith.constant 0 : index
    tpu.barrier barrier_id(%barrier3A)
    %eq3A = arith.constant 0 : i32
    %eq3A_23 = arith.cmpi eq, %arg0, %eq3A : i32
    %convert_element_type3A = arith.extui %eq3A_23 : i1 to i32
    %cond3A = arith.constant 0 : i32
    %cond3A_24 = arith.cmpi ne, %convert_element_type3A, %cond3A : i32
    scf.if %cond3A_24 {
      %scan3A_30 = arith.constant 0 : i32
      %scan3A_31 = arith.constant 5 : i32
      %scan3A_32 = arith.addi %scan3A_30, %scan3A_31 : i32
      %scan3A_33 = arith.constant 1 : i32
      scf.for %scan3A_76 = %scan3A_30 to %scan3A_32 step %scan3A_33  : i32 {
        %mul3A_77 = arith.constant 1 : i32
        %mul3A_78 = arith.muli %scan3A_76, %mul3A_77 : i32
        %add3A_79 = arith.constant 0 : i32
        %add3A_80 = arith.addi %add3A_79, %mul3A_78 : i32
        %mul3A_81 = arith.constant 32 : i32
        %mul3A_82 = arith.muli %add3A_80, %mul3A_81 : i32
        "tpu.region"() ({
          %run_scoped3A = tpu.sem_alloc : memref<!tpu.dma_semaphore, #tpu.memory_space<semaphore_mem>>
          %dma_start3A_96 = arith.constant 0 : i32
          %dma_start3A_97 = tpu.memref_slice %arg4[%arg1, %mul3A_82, %dma_start3A_96] : memref<16x160x128xi32, #tpu.memory_space<hbm>> -> memref<1x32x128xi32, #tpu.memory_space<hbm>>
          %dma_start3A_98 = tpu.memref_squeeze %dma_start3A_97 : memref<1x32x128xi32, #tpu.memory_space<hbm>> -> memref<32x128xi32, #tpu.memory_space<hbm>>
          %dma_start3A_99 = arith.constant 0 : i32
          %dma_start3A_100 = tpu.memref_slice %arg4[%arg1, %mul3A_82, %dma_start3A_99] : memref<16x160x128xi32, #tpu.memory_space<hbm>> -> memref<1x32x128xi32, #tpu.memory_space<hbm>>
          %dma_start3A_101 = tpu.memref_squeeze %dma_start3A_100 : memref<1x32x128xi32, #tpu.memory_space<hbm>> -> memref<32x128xi32, #tpu.memory_space<hbm>>
          tpu.enqueue_dma source(%dma_start3A_101 : memref<32x128xi32, #tpu.memory_space<hbm>>) target(%arg8 : memref<32x128xi32, #tpu.memory_space<vmem>>) target_semaphore(%run_scoped3A : memref<!tpu.dma_semaphore, #tpu.memory_space<semaphore_mem>>)
          %dma_wait3A = arith.constant 0 : i32
          %dma_wait3A_102 = tpu.memref_slice %arg4[%arg1, %mul3A_82, %dma_wait3A] : memref<16x160x128xi32, #tpu.memory_space<hbm>> -> memref<1x32x128xi32, #tpu.memory_space<hbm>>
          %dma_wait3A_103 = tpu.memref_squeeze %dma_wait3A_102 : memref<1x32x128xi32, #tpu.memory_space<hbm>> -> memref<32x128xi32, #tpu.memory_space<hbm>>
          %dma_wait3A_104 = arith.constant 0 : i32
          %dma_wait3A_105 = tpu.memref_slice %arg4[%arg1, %mul3A_82, %dma_wait3A_104] : memref<16x160x128xi32, #tpu.memory_space<hbm>> -> memref<1x32x128xi32, #tpu.memory_space<hbm>>
          %dma_wait3A_106 = tpu.memref_squeeze %dma_wait3A_105 : memref<1x32x128xi32, #tpu.memory_space<hbm>> -> memref<32x128xi32, #tpu.memory_space<hbm>>
          tpu.wait_dma2 semaphore(%run_scoped3A : memref<!tpu.dma_semaphore, #tpu.memory_space<semaphore_mem>>) src(%dma_wait3A_106 : memref<32x128xi32, #tpu.memory_space<hbm>>) dst(%arg8 : memref<32x128xi32, #tpu.memory_space<vmem>>)
          tpu.yield
        }) : () -> ()
        %mul3A_83 = arith.constant 32 : i32
        %mul3A_84 = arith.muli %add3A_80, %mul3A_83 : i32
        "tpu.region"() ({
          %run_scoped3A = tpu.sem_alloc : memref<!tpu.dma_semaphore, #tpu.memory_space<semaphore_mem>>
          %dma_start3A_96 = arith.constant 0 : i32
          %dma_start3A_97 = tpu.memref_slice %arg5[%arg1, %mul3A_84, %dma_start3A_96] : memref<16x160x128xi32, #tpu.memory_space<hbm>> -> memref<1x32x128xi32, #tpu.memory_space<hbm>>
          %dma_start3A_98 = tpu.memref_squeeze %dma_start3A_97 : memref<1x32x128xi32, #tpu.memory_space<hbm>> -> memref<32x128xi32, #tpu.memory_space<hbm>>
          %dma_start3A_99 = arith.constant 0 : i32
          %dma_start3A_100 = tpu.memref_slice %arg5[%arg1, %mul3A_84, %dma_start3A_99] : memref<16x160x128xi32, #tpu.memory_space<hbm>> -> memref<1x32x128xi32, #tpu.memory_space<hbm>>
          %dma_start3A_101 = tpu.memref_squeeze %dma_start3A_100 : memref<1x32x128xi32, #tpu.memory_space<hbm>> -> memref<32x128xi32, #tpu.memory_space<hbm>>
          tpu.enqueue_dma source(%dma_start3A_101 : memref<32x128xi32, #tpu.memory_space<hbm>>) target(%arg9 : memref<32x128xi32, #tpu.memory_space<vmem>>) target_semaphore(%run_scoped3A : memref<!tpu.dma_semaphore, #tpu.memory_space<semaphore_mem>>)
          %dma_wait3A = arith.constant 0 : i32
          %dma_wait3A_102 = tpu.memref_slice %arg5[%arg1, %mul3A_84, %dma_wait3A] : memref<16x160x128xi32, #tpu.memory_space<hbm>> -> memref<1x32x128xi32, #tpu.memory_space<hbm>>
          %dma_wait3A_103 = tpu.memref_squeeze %dma_wait3A_102 : memref<1x32x128xi32, #tpu.memory_space<hbm>> -> memref<32x128xi32, #tpu.memory_space<hbm>>
          %dma_wait3A_104 = arith.constant 0 : i32
          %dma_wait3A_105 = tpu.memref_slice %arg5[%arg1, %mul3A_84, %dma_wait3A_104] : memref<16x160x128xi32, #tpu.memory_space<hbm>> -> memref<1x32x128xi32, #tpu.memory_space<hbm>>
          %dma_wait3A_106 = tpu.memref_squeeze %dma_wait3A_105 : memref<1x32x128xi32, #tpu.memory_space<hbm>> -> memref<32x128xi32, #tpu.memory_space<hbm>>
          tpu.wait_dma2 semaphore(%run_scoped3A : memref<!tpu.dma_semaphore, #tpu.memory_space<semaphore_mem>>) src(%dma_wait3A_106 : memref<32x128xi32, #tpu.memory_space<hbm>>) dst(%arg9 : memref<32x128xi32, #tpu.memory_space<vmem>>)
          tpu.yield
        }) : () -> ()
        %dma_start3A = arith.constant 0 : i32
        %dma_start3A_85 = arith.constant 0 : i32
        %dma_start3A_86 = tpu.memref_slice %arg8[%dma_start3A, %dma_start3A_85] : memref<32x128xi32, #tpu.memory_space<vmem>> -> memref<1x128xi32, #tpu.memory_space<vmem>>
        %dma_start3A_87 = tpu.memref_squeeze %dma_start3A_86 : memref<1x128xi32, #tpu.memory_space<vmem>> -> memref<128xi32, #tpu.memory_space<vmem>>
        %dma_start3A_88 = arith.constant 0 : i32
        %dma_start3A_89 = arith.constant 0 : i32
        %dma_start3A_90 = tpu.memref_slice %arg2[%dma_start3A_88, %dma_start3A_89] : memref<10000x128xf32, #tpu.memory_space<hbm>> -> memref<10000x128xf32, #tpu.memory_space<hbm>>
        tpu.enqueue_indirect_dma source(%dma_start3A_90 : memref<10000x128xf32, #tpu.memory_space<hbm>>) target(%arg10 : memref<128x128xf32, #tpu.memory_space<vmem>>) offsets(%dma_start3A_87 : memref<128xi32, #tpu.memory_space<vmem>>) semaphore(%arg12 : memref<!tpu.dma_semaphore, #tpu.memory_space<semaphore_mem>>)
        %scan3A_91 = arith.constant 0 : i32
        %scan3A_92 = arith.constant 16 : i32
        %scan3A_93 = arith.addi %scan3A_91, %scan3A_92 : i32
        %scan3A_94 = arith.constant 1 : i32
        scf.for %scan3A_96 = %scan3A_91 to %scan3A_93 step %scan3A_94  : i32 {
          %mul3A_97 = arith.constant 2 : i32
          %mul3A_98 = arith.muli %scan3A_96, %mul3A_97 : i32
          %add3A_99 = arith.constant 0 : i32
          %add3A_100 = arith.addi %add3A_99, %mul3A_98 : i32
          %dma_wait3A = arith.constant 0 : i32
          %dma_wait3A_101 = tpu.memref_slice %arg8[%add3A_100, %dma_wait3A] : memref<32x128xi32, #tpu.memory_space<vmem>> -> memref<1x128xi32, #tpu.memory_space<vmem>>
          %dma_wait3A_102 = tpu.memref_squeeze %dma_wait3A_101 : memref<1x128xi32, #tpu.memory_space<vmem>> -> memref<128xi32, #tpu.memory_space<vmem>>
          %dma_wait3A_103 = arith.constant 0 : i32
          %dma_wait3A_104 = arith.constant 0 : i32
          %dma_wait3A_105 = tpu.memref_slice %arg2[%dma_wait3A_103, %dma_wait3A_104] : memref<10000x128xf32, #tpu.memory_space<hbm>> -> memref<10000x128xf32, #tpu.memory_space<hbm>>
          tpu.wait_indirect_dma semaphore(%arg12 : memref<!tpu.dma_semaphore, #tpu.memory_space<semaphore_mem>>) src(%dma_wait3A_105 : memref<10000x128xf32, #tpu.memory_space<hbm>>) dst(%arg10 : memref<128x128xf32, #tpu.memory_space<vmem>>)
          %add3A_106 = arith.constant 1 : i32
          %add3A_107 = arith.addi %add3A_100, %add3A_106 : i32
          %dma_start3A_108 = arith.constant 0 : i32
          %dma_start3A_109 = tpu.memref_slice %arg8[%add3A_107, %dma_start3A_108] : memref<32x128xi32, #tpu.memory_space<vmem>> -> memref<1x128xi32, #tpu.memory_space<vmem>>
          %dma_start3A_110 = tpu.memref_squeeze %dma_start3A_109 : memref<1x128xi32, #tpu.memory_space<vmem>> -> memref<128xi32, #tpu.memory_space<vmem>>
          %dma_start3A_111 = arith.constant 0 : i32
          %dma_start3A_112 = arith.constant 0 : i32
          %dma_start3A_113 = tpu.memref_slice %arg2[%dma_start3A_111, %dma_start3A_112] : memref<10000x128xf32, #tpu.memory_space<hbm>> -> memref<10000x128xf32, #tpu.memory_space<hbm>>
          tpu.enqueue_indirect_dma source(%dma_start3A_113 : memref<10000x128xf32, #tpu.memory_space<hbm>>) target(%arg11 : memref<128x128xf32, #tpu.memory_space<vmem>>) offsets(%dma_start3A_110 : memref<128xi32, #tpu.memory_space<vmem>>) semaphore(%arg13 : memref<!tpu.dma_semaphore, #tpu.memory_space<semaphore_mem>>)
          "tpu.region"() ({
            %run_scoped3A = tpu.sem_alloc : memref<!tpu.dma_semaphore, #tpu.memory_space<semaphore_mem>>
            %dma_start3A_128 = arith.constant 0 : i32
            %dma_start3A_129 = tpu.memref_slice %arg9[%add3A_100, %dma_start3A_128] : memref<32x128xi32, #tpu.memory_space<vmem>> -> memref<1x128xi32, #tpu.memory_space<vmem>>
            %dma_start3A_130 = tpu.memref_squeeze %dma_start3A_129 : memref<1x128xi32, #tpu.memory_space<vmem>> -> memref<128xi32, #tpu.memory_space<vmem>>
            %dma_start3A_131 = arith.constant 0 : i32
            %dma_start3A_132 = arith.constant 0 : i32
            %dma_start3A_133 = tpu.memref_slice %arg14[%dma_start3A_131, %dma_start3A_132] : memref<10240x128xf32, #tpu.memory_space<vmem_shared>> -> memref<10240x128xf32, #tpu.memory_space<vmem_shared>>
            tpu.enqueue_indirect_dma source(%arg10 : memref<128x128xf32, #tpu.memory_space<vmem>>) target(%dma_start3A_133 : memref<10240x128xf32, #tpu.memory_space<vmem_shared>>) offsets(%dma_start3A_130 : memref<128xi32, #tpu.memory_space<vmem>>) semaphore(%run_scoped3A : memref<!tpu.dma_semaphore, #tpu.memory_space<semaphore_mem>>) {add = true}
            %dma_wait3A_134 = arith.constant 0 : i32
            %dma_wait3A_135 = tpu.memref_slice %arg9[%add3A_100, %dma_wait3A_134] : memref<32x128xi32, #tpu.memory_space<vmem>> -> memref<1x128xi32, #tpu.memory_space<vmem>>
            %dma_wait3A_136 = tpu.memref_squeeze %dma_wait3A_135 : memref<1x128xi32, #tpu.memory_space<vmem>> -> memref<128xi32, #tpu.memory_space<vmem>>
            %dma_wait3A_137 = arith.constant 0 : i32
            %dma_wait3A_138 = arith.constant 0 : i32
            %dma_wait3A_139 = tpu.memref_slice %arg14[%dma_wait3A_137, %dma_wait3A_138] : memref<10240x128xf32, #tpu.memory_space<vmem_shared>> -> memref<10240x128xf32, #tpu.memory_space<vmem_shared>>
            tpu.wait_indirect_dma semaphore(%run_scoped3A : memref<!tpu.dma_semaphore, #tpu.memory_space<semaphore_mem>>) src(%arg10 : memref<128x128xf32, #tpu.memory_space<vmem>>) dst(%dma_wait3A_139 : memref<10240x128xf32, #tpu.memory_space<vmem_shared>>)
            tpu.yield
          }) : () -> ()
          %dma_wait3A_114 = arith.constant 0 : i32
          %dma_wait3A_115 = tpu.memref_slice %arg8[%add3A_100, %dma_wait3A_114] : memref<32x128xi32, #tpu.memory_space<vmem>> -> memref<1x128xi32, #tpu.memory_space<vmem>>
          %dma_wait3A_116 = tpu.memref_squeeze %dma_wait3A_115 : memref<1x128xi32, #tpu.memory_space<vmem>> -> memref<128xi32, #tpu.memory_space<vmem>>
          %dma_wait3A_117 = arith.constant 0 : i32
          %dma_wait3A_118 = arith.constant 0 : i32
          %dma_wait3A_119 = tpu.memref_slice %arg2[%dma_wait3A_117, %dma_wait3A_118] : memref<10000x128xf32, #tpu.memory_space<hbm>> -> memref<10000x128xf32, #tpu.memory_space<hbm>>
          tpu.wait_indirect_dma semaphore(%arg13 : memref<!tpu.dma_semaphore, #tpu.memory_space<semaphore_mem>>) src(%dma_wait3A_119 : memref<10000x128xf32, #tpu.memory_space<hbm>>) dst(%arg11 : memref<128x128xf32, #tpu.memory_space<vmem>>)
          %add3A_120 = arith.constant 2 : i32
          %add3A_121 = arith.addi %add3A_100, %add3A_120 : i32
          %lt3A = arith.constant 32 : i32
          %lt3A_122 = arith.cmpi slt, %add3A_121, %lt3A : i32
          %convert_element_type3A_123 = arith.extui %lt3A_122 : i1 to i32
          %cond3A_124 = arith.constant 0 : i32
          %cond3A_125 = arith.cmpi ne, %convert_element_type3A_123, %cond3A_124 : i32
          scf.if %cond3A_125 {
            %add3A_128 = arith.constant 2 : i32
            %add3A_129 = arith.addi %add3A_100, %add3A_128 : i32
            %dma_start3A_130 = arith.constant 0 : i32
            %dma_start3A_131 = tpu.memref_slice %arg8[%add3A_129, %dma_start3A_130] : memref<32x128xi32, #tpu.memory_space<vmem>> -> memref<1x128xi32, #tpu.memory_space<vmem>>
            %dma_start3A_132 = tpu.memref_squeeze %dma_start3A_131 : memref<1x128xi32, #tpu.memory_space<vmem>> -> memref<128xi32, #tpu.memory_space<vmem>>
            %dma_start3A_133 = arith.constant 0 : i32
            %dma_start3A_134 = arith.constant 0 : i32
            %dma_start3A_135 = tpu.memref_slice %arg2[%dma_start3A_133, %dma_start3A_134] : memref<10000x128xf32, #tpu.memory_space<hbm>> -> memref<10000x128xf32, #tpu.memory_space<hbm>>
            tpu.enqueue_indirect_dma source(%dma_start3A_135 : memref<10000x128xf32, #tpu.memory_space<hbm>>) target(%arg10 : memref<128x128xf32, #tpu.memory_space<vmem>>) offsets(%dma_start3A_132 : memref<128xi32, #tpu.memory_space<vmem>>) semaphore(%arg12 : memref<!tpu.dma_semaphore, #tpu.memory_space<semaphore_mem>>)
          } else {
          }
          %add3A_126 = arith.constant 1 : i32
          %add3A_127 = arith.addi %add3A_100, %add3A_126 : i32
          "tpu.region"() ({
            %run_scoped3A = tpu.sem_alloc : memref<!tpu.dma_semaphore, #tpu.memory_space<semaphore_mem>>
            %dma_start3A_128 = arith.constant 0 : i32
            %dma_start3A_129 = tpu.memref_slice %arg9[%add3A_127, %dma_start3A_128] : memref<32x128xi32, #tpu.memory_space<vmem>> -> memref<1x128xi32, #tpu.memory_space<vmem>>
            %dma_start3A_130 = tpu.memref_squeeze %dma_start3A_129 : memref<1x128xi32, #tpu.memory_space<vmem>> -> memref<128xi32, #tpu.memory_space<vmem>>
            %dma_start3A_131 = arith.constant 0 : i32
            %dma_start3A_132 = arith.constant 0 : i32
            %dma_start3A_133 = tpu.memref_slice %arg14[%dma_start3A_131, %dma_start3A_132] : memref<10240x128xf32, #tpu.memory_space<vmem_shared>> -> memref<10240x128xf32, #tpu.memory_space<vmem_shared>>
            tpu.enqueue_indirect_dma source(%arg11 : memref<128x128xf32, #tpu.memory_space<vmem>>) target(%dma_start3A_133 : memref<10240x128xf32, #tpu.memory_space<vmem_shared>>) offsets(%dma_start3A_130 : memref<128xi32, #tpu.memory_space<vmem>>) semaphore(%run_scoped3A : memref<!tpu.dma_semaphore, #tpu.memory_space<semaphore_mem>>) {add = true}
            %dma_wait3A_134 = arith.constant 0 : i32
            %dma_wait3A_135 = tpu.memref_slice %arg9[%add3A_127, %dma_wait3A_134] : memref<32x128xi32, #tpu.memory_space<vmem>> -> memref<1x128xi32, #tpu.memory_space<vmem>>
            %dma_wait3A_136 = tpu.memref_squeeze %dma_wait3A_135 : memref<1x128xi32, #tpu.memory_space<vmem>> -> memref<128xi32, #tpu.memory_space<vmem>>
            %dma_wait3A_137 = arith.constant 0 : i32
            %dma_wait3A_138 = arith.constant 0 : i32
            %dma_wait3A_139 = tpu.memref_slice %arg14[%dma_wait3A_137, %dma_wait3A_138] : memref<10240x128xf32, #tpu.memory_space<vmem_shared>> -> memref<10240x128xf32, #tpu.memory_space<vmem_shared>>
            tpu.wait_indirect_dma semaphore(%run_scoped3A : memref<!tpu.dma_semaphore, #tpu.memory_space<semaphore_mem>>) src(%arg11 : memref<128x128xf32, #tpu.memory_space<vmem>>) dst(%dma_wait3A_139 : memref<10240x128xf32, #tpu.memory_space<vmem_shared>>)
            tpu.yield
          }) : () -> ()
        }
        %scan3A_95 = arith.constant 16 : i32
      }
      %scan3A_34 = arith.constant 5 : i32
      %barrier3A_35 = arith.constant 0 : index
      tpu.barrier barrier_id(%barrier3A_35)
      %mul3A_36 = arith.constant 640 : i32
      %mul3A_37 = arith.muli %arg1, %mul3A_36 : i32
      %add3A_38 = arith.constant 0 : i32
      %add3A_39 = arith.addi %mul3A_37, %add3A_38 : i32
      "tpu.region"() ({
        %run_scoped3A = tpu.sem_alloc : memref<!tpu.dma_semaphore, #tpu.memory_space<semaphore_mem>>
        %dma_start3A = arith.constant 0 : i32
        %dma_start3A_76 = tpu.memref_slice %arg14[%add3A_39, %dma_start3A] : memref<10240x128xf32, #tpu.memory_space<vmem_shared>> -> memref<128x128xf32, #tpu.memory_space<vmem_shared>>
        %dma_start3A_77 = arith.constant 0 : i32
        %dma_start3A_78 = tpu.memref_slice %arg14[%add3A_39, %dma_start3A_77] : memref<10240x128xf32, #tpu.memory_space<vmem_shared>> -> memref<128x128xf32, #tpu.memory_space<vmem_shared>>
        tpu.enqueue_dma source(%dma_start3A_78 : memref<128x128xf32, #tpu.memory_space<vmem_shared>>) target(%arg10 : memref<128x128xf32, #tpu.memory_space<vmem>>) target_semaphore(%run_scoped3A : memref<!tpu.dma_semaphore, #tpu.memory_space<semaphore_mem>>)
        %dma_wait3A = arith.constant 0 : i32
        %dma_wait3A_79 = tpu.memref_slice %arg14[%add3A_39, %dma_wait3A] : memref<10240x128xf32, #tpu.memory_space<vmem_shared>> -> memref<128x128xf32, #tpu.memory_space<vmem_shared>>
        %dma_wait3A_80 = arith.constant 0 : i32
        %dma_wait3A_81 = tpu.memref_slice %arg14[%add3A_39, %dma_wait3A_80] : memref<10240x128xf32, #tpu.memory_space<vmem_shared>> -> memref<128x128xf32, #tpu.memory_space<vmem_shared>>
        tpu.wait_dma2 semaphore(%run_scoped3A : memref<!tpu.dma_semaphore, #tpu.memory_space<semaphore_mem>>) src(%dma_wait3A_81 : memref<128x128xf32, #tpu.memory_space<vmem_shared>>) dst(%arg10 : memref<128x128xf32, #tpu.memory_space<vmem>>)
        tpu.yield
      }) : () -> ()
      %mul3A_40 = arith.constant 640 : i32
      %mul3A_41 = arith.muli %arg1, %mul3A_40 : i32
      %add3A_42 = arith.constant 0 : i32
      %add3A_43 = arith.addi %mul3A_41, %add3A_42 : i32
      "tpu.region"() ({
        %run_scoped3A = tpu.sem_alloc : memref<!tpu.dma_semaphore, #tpu.memory_space<semaphore_mem>>
        %dma_start3A = arith.constant 0 : i32
        %dma_start3A_76 = tpu.memref_slice %arg6[%add3A_43, %dma_start3A] : memref<10240x128xf32, #tpu.memory_space<hbm>> -> memref<128x128xf32, #tpu.memory_space<hbm>>
        %dma_start3A_77 = arith.constant 0 : i32
        %dma_start3A_78 = tpu.memref_slice %arg6[%add3A_43, %dma_start3A_77] : memref<10240x128xf32, #tpu.memory_space<hbm>> -> memref<128x128xf32, #tpu.memory_space<hbm>>
        tpu.enqueue_dma source(%arg10 : memref<128x128xf32, #tpu.memory_space<vmem>>) target(%dma_start3A_78 : memref<128x128xf32, #tpu.memory_space<hbm>>) target_semaphore(%run_scoped3A : memref<!tpu.dma_semaphore, #tpu.memory_space<semaphore_mem>>)
        %dma_wait3A = arith.constant 0 : i32
        %dma_wait3A_79 = tpu.memref_slice %arg6[%add3A_43, %dma_wait3A] : memref<10240x128xf32, #tpu.memory_space<hbm>> -> memref<128x128xf32, #tpu.memory_space<hbm>>
        %dma_wait3A_80 = arith.constant 0 : i32
        %dma_wait3A_81 = tpu.memref_slice %arg6[%add3A_43, %dma_wait3A_80] : memref<10240x128xf32, #tpu.memory_space<hbm>> -> memref<128x128xf32, #tpu.memory_space<hbm>>
        tpu.wait_dma2 semaphore(%run_scoped3A : memref<!tpu.dma_semaphore, #tpu.memory_space<semaphore_mem>>) src(%arg10 : memref<128x128xf32, #tpu.memory_space<vmem>>) dst(%dma_wait3A_81 : memref<128x128xf32, #tpu.memory_space<hbm>>)
        tpu.yield
      }) : () -> ()
      %mul3A_44 = arith.constant 640 : i32
      %mul3A_45 = arith.muli %arg1, %mul3A_44 : i32
      %add3A_46 = arith.constant 128 : i32
      %add3A_47 = arith.addi %mul3A_45, %add3A_46 : i32
      "tpu.region"() ({
        %run_scoped3A = tpu.sem_alloc : memref<!tpu.dma_semaphore, #tpu.memory_space<semaphore_mem>>
        %dma_start3A = arith.constant 0 : i32
        %dma_start3A_76 = tpu.memref_slice %arg14[%add3A_47, %dma_start3A] : memref<10240x128xf32, #tpu.memory_space<vmem_shared>> -> memref<128x128xf32, #tpu.memory_space<vmem_shared>>
        %dma_start3A_77 = arith.constant 0 : i32
        %dma_start3A_78 = tpu.memref_slice %arg14[%add3A_47, %dma_start3A_77] : memref<10240x128xf32, #tpu.memory_space<vmem_shared>> -> memref<128x128xf32, #tpu.memory_space<vmem_shared>>
        tpu.enqueue_dma source(%dma_start3A_78 : memref<128x128xf32, #tpu.memory_space<vmem_shared>>) target(%arg10 : memref<128x128xf32, #tpu.memory_space<vmem>>) target_semaphore(%run_scoped3A : memref<!tpu.dma_semaphore, #tpu.memory_space<semaphore_mem>>)
        %dma_wait3A = arith.constant 0 : i32
        %dma_wait3A_79 = tpu.memref_slice %arg14[%add3A_47, %dma_wait3A] : memref<10240x128xf32, #tpu.memory_space<vmem_shared>> -> memref<128x128xf32, #tpu.memory_space<vmem_shared>>
        %dma_wait3A_80 = arith.constant 0 : i32
        %dma_wait3A_81 = tpu.memref_slice %arg14[%add3A_47, %dma_wait3A_80] : memref<10240x128xf32, #tpu.memory_space<vmem_shared>> -> memref<128x128xf32, #tpu.memory_space<vmem_shared>>
        tpu.wait_dma2 semaphore(%run_scoped3A : memref<!tpu.dma_semaphore, #tpu.memory_space<semaphore_mem>>) src(%dma_wait3A_81 : memref<128x128xf32, #tpu.memory_space<vmem_shared>>) dst(%arg10 : memref<128x128xf32, #tpu.memory_space<vmem>>)
        tpu.yield
      }) : () -> ()
      %mul3A_48 = arith.constant 640 : i32
      %mul3A_49 = arith.muli %arg1, %mul3A_48 : i32
      %add3A_50 = arith.constant 128 : i32
      %add3A_51 = arith.addi %mul3A_49, %add3A_50 : i32
      "tpu.region"() ({
        %run_scoped3A = tpu.sem_alloc : memref<!tpu.dma_semaphore, #tpu.memory_space<semaphore_mem>>
        %dma_start3A = arith.constant 0 : i32
        %dma_start3A_76 = tpu.memref_slice %arg6[%add3A_51, %dma_start3A] : memref<10240x128xf32, #tpu.memory_space<hbm>> -> memref<128x128xf32, #tpu.memory_space<hbm>>
        %dma_start3A_77 = arith.constant 0 : i32
        %dma_start3A_78 = tpu.memref_slice %arg6[%add3A_51, %dma_start3A_77] : memref<10240x128xf32, #tpu.memory_space<hbm>> -> memref<128x128xf32, #tpu.memory_space<hbm>>
        tpu.enqueue_dma source(%arg10 : memref<128x128xf32, #tpu.memory_space<vmem>>) target(%dma_start3A_78 : memref<128x128xf32, #tpu.memory_space<hbm>>) target_semaphore(%run_scoped3A : memref<!tpu.dma_semaphore, #tpu.memory_space<semaphore_mem>>)
        %dma_wait3A = arith.constant 0 : i32
        %dma_wait3A_79 = tpu.memref_slice %arg6[%add3A_51, %dma_wait3A] : memref<10240x128xf32, #tpu.memory_space<hbm>> -> memref<128x128xf32, #tpu.memory_space<hbm>>
        %dma_wait3A_80 = arith.constant 0 : i32
        %dma_wait3A_81 = tpu.memref_slice %arg6[%add3A_51, %dma_wait3A_80] : memref<10240x128xf32, #tpu.memory_space<hbm>> -> memref<128x128xf32, #tpu.memory_space<hbm>>
        tpu.wait_dma2 semaphore(%run_scoped3A : memref<!tpu.dma_semaphore, #tpu.memory_space<semaphore_mem>>) src(%arg10 : memref<128x128xf32, #tpu.memory_space<vmem>>) dst(%dma_wait3A_81 : memref<128x128xf32, #tpu.memory_space<hbm>>)
        tpu.yield
      }) : () -> ()
      %mul3A_52 = arith.constant 640 : i32
      %mul3A_53 = arith.muli %arg1, %mul3A_52 : i32
      %add3A_54 = arith.constant 256 : i32
      %add3A_55 = arith.addi %mul3A_53, %add3A_54 : i32
      "tpu.region"() ({
        %run_scoped3A = tpu.sem_alloc : memref<!tpu.dma_semaphore, #tpu.memory_space<semaphore_mem>>
        %dma_start3A = arith.constant 0 : i32
        %dma_start3A_76 = tpu.memref_slice %arg14[%add3A_55, %dma_start3A] : memref<10240x128xf32, #tpu.memory_space<vmem_shared>> -> memref<128x128xf32, #tpu.memory_space<vmem_shared>>
        %dma_start3A_77 = arith.constant 0 : i32
        %dma_start3A_78 = tpu.memref_slice %arg14[%add3A_55, %dma_start3A_77] : memref<10240x128xf32, #tpu.memory_space<vmem_shared>> -> memref<128x128xf32, #tpu.memory_space<vmem_shared>>
        tpu.enqueue_dma source(%dma_start3A_78 : memref<128x128xf32, #tpu.memory_space<vmem_shared>>) target(%arg10 : memref<128x128xf32, #tpu.memory_space<vmem>>) target_semaphore(%run_scoped3A : memref<!tpu.dma_semaphore, #tpu.memory_space<semaphore_mem>>)
        %dma_wait3A = arith.constant 0 : i32
        %dma_wait3A_79 = tpu.memref_slice %arg14[%add3A_55, %dma_wait3A] : memref<10240x128xf32, #tpu.memory_space<vmem_shared>> -> memref<128x128xf32, #tpu.memory_space<vmem_shared>>
        %dma_wait3A_80 = arith.constant 0 : i32
        %dma_wait3A_81 = tpu.memref_slice %arg14[%add3A_55, %dma_wait3A_80] : memref<10240x128xf32, #tpu.memory_space<vmem_shared>> -> memref<128x128xf32, #tpu.memory_space<vmem_shared>>
        tpu.wait_dma2 semaphore(%run_scoped3A : memref<!tpu.dma_semaphore, #tpu.memory_space<semaphore_mem>>) src(%dma_wait3A_81 : memref<128x128xf32, #tpu.memory_space<vmem_shared>>) dst(%arg10 : memref<128x128xf32, #tpu.memory_space<vmem>>)
        tpu.yield
      }) : () -> ()
      %mul3A_56 = arith.constant 640 : i32
      %mul3A_57 = arith.muli %arg1, %mul3A_56 : i32
      %add3A_58 = arith.constant 256 : i32
      %add3A_59 = arith.addi %mul3A_57, %add3A_58 : i32
      "tpu.region"() ({
        %run_scoped3A = tpu.sem_alloc : memref<!tpu.dma_semaphore, #tpu.memory_space<semaphore_mem>>
        %dma_start3A = arith.constant 0 : i32
        %dma_start3A_76 = tpu.memref_slice %arg6[%add3A_59, %dma_start3A] : memref<10240x128xf32, #tpu.memory_space<hbm>> -> memref<128x128xf32, #tpu.memory_space<hbm>>
        %dma_start3A_77 = arith.constant 0 : i32
        %dma_start3A_78 = tpu.memref_slice %arg6[%add3A_59, %dma_start3A_77] : memref<10240x128xf32, #tpu.memory_space<hbm>> -> memref<128x128xf32, #tpu.memory_space<hbm>>
        tpu.enqueue_dma source(%arg10 : memref<128x128xf32, #tpu.memory_space<vmem>>) target(%dma_start3A_78 : memref<128x128xf32, #tpu.memory_space<hbm>>) target_semaphore(%run_scoped3A : memref<!tpu.dma_semaphore, #tpu.memory_space<semaphore_mem>>)
        %dma_wait3A = arith.constant 0 : i32
        %dma_wait3A_79 = tpu.memref_slice %arg6[%add3A_59, %dma_wait3A] : memref<10240x128xf32, #tpu.memory_space<hbm>> -> memref<128x128xf32, #tpu.memory_space<hbm>>
        %dma_wait3A_80 = arith.constant 0 : i32
        %dma_wait3A_81 = tpu.memref_slice %arg6[%add3A_59, %dma_wait3A_80] : memref<10240x128xf32, #tpu.memory_space<hbm>> -> memref<128x128xf32, #tpu.memory_space<hbm>>
        tpu.wait_dma2 semaphore(%run_scoped3A : memref<!tpu.dma_semaphore, #tpu.memory_space<semaphore_mem>>) src(%arg10 : memref<128x128xf32, #tpu.memory_space<vmem>>) dst(%dma_wait3A_81 : memref<128x128xf32, #tpu.memory_space<hbm>>)
        tpu.yield
      }) : () -> ()
      %mul3A_60 = arith.constant 640 : i32
      %mul3A_61 = arith.muli %arg1, %mul3A_60 : i32
      %add3A_62 = arith.constant 384 : i32
      %add3A_63 = arith.addi %mul3A_61, %add3A_62 : i32
      "tpu.region"() ({
        %run_scoped3A = tpu.sem_alloc : memref<!tpu.dma_semaphore, #tpu.memory_space<semaphore_mem>>
        %dma_start3A = arith.constant 0 : i32
        %dma_start3A_76 = tpu.memref_slice %arg14[%add3A_63, %dma_start3A] : memref<10240x128xf32, #tpu.memory_space<vmem_shared>> -> memref<128x128xf32, #tpu.memory_space<vmem_shared>>
        %dma_start3A_77 = arith.constant 0 : i32
        %dma_start3A_78 = tpu.memref_slice %arg14[%add3A_63, %dma_start3A_77] : memref<10240x128xf32, #tpu.memory_space<vmem_shared>> -> memref<128x128xf32, #tpu.memory_space<vmem_shared>>
        tpu.enqueue_dma source(%dma_start3A_78 : memref<128x128xf32, #tpu.memory_space<vmem_shared>>) target(%arg10 : memref<128x128xf32, #tpu.memory_space<vmem>>) target_semaphore(%run_scoped3A : memref<!tpu.dma_semaphore, #tpu.memory_space<semaphore_mem>>)
        %dma_wait3A = arith.constant 0 : i32
        %dma_wait3A_79 = tpu.memref_slice %arg14[%add3A_63, %dma_wait3A] : memref<10240x128xf32, #tpu.memory_space<vmem_shared>> -> memref<128x128xf32, #tpu.memory_space<vmem_shared>>
        %dma_wait3A_80 = arith.constant 0 : i32
        %dma_wait3A_81 = tpu.memref_slice %arg14[%add3A_63, %dma_wait3A_80] : memref<10240x128xf32, #tpu.memory_space<vmem_shared>> -> memref<128x128xf32, #tpu.memory_space<vmem_shared>>
        tpu.wait_dma2 semaphore(%run_scoped3A : memref<!tpu.dma_semaphore, #tpu.memory_space<semaphore_mem>>) src(%dma_wait3A_81 : memref<128x128xf32, #tpu.memory_space<vmem_shared>>) dst(%arg10 : memref<128x128xf32, #tpu.memory_space<vmem>>)
        tpu.yield
      }) : () -> ()
      %mul3A_64 = arith.constant 640 : i32
      %mul3A_65 = arith.muli %arg1, %mul3A_64 : i32
      %add3A_66 = arith.constant 384 : i32
      %add3A_67 = arith.addi %mul3A_65, %add3A_66 : i32
      "tpu.region"() ({
        %run_scoped3A = tpu.sem_alloc : memref<!tpu.dma_semaphore, #tpu.memory_space<semaphore_mem>>
        %dma_start3A = arith.constant 0 : i32
        %dma_start3A_76 = tpu.memref_slice %arg6[%add3A_67, %dma_start3A] : memref<10240x128xf32, #tpu.memory_space<hbm>> -> memref<128x128xf32, #tpu.memory_space<hbm>>
        %dma_start3A_77 = arith.constant 0 : i32
        %dma_start3A_78 = tpu.memref_slice %arg6[%add3A_67, %dma_start3A_77] : memref<10240x128xf32, #tpu.memory_space<hbm>> -> memref<128x128xf32, #tpu.memory_space<hbm>>
        tpu.enqueue_dma source(%arg10 : memref<128x128xf32, #tpu.memory_space<vmem>>) target(%dma_start3A_78 : memref<128x128xf32, #tpu.memory_space<hbm>>) target_semaphore(%run_scoped3A : memref<!tpu.dma_semaphore, #tpu.memory_space<semaphore_mem>>)
        %dma_wait3A = arith.constant 0 : i32
        %dma_wait3A_79 = tpu.memref_slice %arg6[%add3A_67, %dma_wait3A] : memref<10240x128xf32, #tpu.memory_space<hbm>> -> memref<128x128xf32, #tpu.memory_space<hbm>>
        %dma_wait3A_80 = arith.constant 0 : i32
        %dma_wait3A_81 = tpu.memref_slice %arg6[%add3A_67, %dma_wait3A_80] : memref<10240x128xf32, #tpu.memory_space<hbm>> -> memref<128x128xf32, #tpu.memory_space<hbm>>
        tpu.wait_dma2 semaphore(%run_scoped3A : memref<!tpu.dma_semaphore, #tpu.memory_space<semaphore_mem>>) src(%arg10 : memref<128x128xf32, #tpu.memory_space<vmem>>) dst(%dma_wait3A_81 : memref<128x128xf32, #tpu.memory_space<hbm>>)
        tpu.yield
      }) : () -> ()
      %mul3A_68 = arith.constant 640 : i32
      %mul3A_69 = arith.muli %arg1, %mul3A_68 : i32
      %add3A_70 = arith.constant 512 : i32
      %add3A_71 = arith.addi %mul3A_69, %add3A_70 : i32
      "tpu.region"() ({
        %run_scoped3A = tpu.sem_alloc : memref<!tpu.dma_semaphore, #tpu.memory_space<semaphore_mem>>
        %dma_start3A = arith.constant 0 : i32
        %dma_start3A_76 = tpu.memref_slice %arg14[%add3A_71, %dma_start3A] : memref<10240x128xf32, #tpu.memory_space<vmem_shared>> -> memref<128x128xf32, #tpu.memory_space<vmem_shared>>
        %dma_start3A_77 = arith.constant 0 : i32
        %dma_start3A_78 = tpu.memref_slice %arg14[%add3A_71, %dma_start3A_77] : memref<10240x128xf32, #tpu.memory_space<vmem_shared>> -> memref<128x128xf32, #tpu.memory_space<vmem_shared>>
        tpu.enqueue_dma source(%dma_start3A_78 : memref<128x128xf32, #tpu.memory_space<vmem_shared>>) target(%arg10 : memref<128x128xf32, #tpu.memory_space<vmem>>) target_semaphore(%run_scoped3A : memref<!tpu.dma_semaphore, #tpu.memory_space<semaphore_mem>>)
        %dma_wait3A = arith.constant 0 : i32
        %dma_wait3A_79 = tpu.memref_slice %arg14[%add3A_71, %dma_wait3A] : memref<10240x128xf32, #tpu.memory_space<vmem_shared>> -> memref<128x128xf32, #tpu.memory_space<vmem_shared>>
        %dma_wait3A_80 = arith.constant 0 : i32
        %dma_wait3A_81 = tpu.memref_slice %arg14[%add3A_71, %dma_wait3A_80] : memref<10240x128xf32, #tpu.memory_space<vmem_shared>> -> memref<128x128xf32, #tpu.memory_space<vmem_shared>>
        tpu.wait_dma2 semaphore(%run_scoped3A : memref<!tpu.dma_semaphore, #tpu.memory_space<semaphore_mem>>) src(%dma_wait3A_81 : memref<128x128xf32, #tpu.memory_space<vmem_shared>>) dst(%arg10 : memref<128x128xf32, #tpu.memory_space<vmem>>)
        tpu.yield
      }) : () -> ()
      %mul3A_72 = arith.constant 640 : i32
      %mul3A_73 = arith.muli %arg1, %mul3A_72 : i32
      %add3A_74 = arith.constant 512 : i32
      %add3A_75 = arith.addi %mul3A_73, %add3A_74 : i32
      "tpu.region"() ({
        %run_scoped3A = tpu.sem_alloc : memref<!tpu.dma_semaphore, #tpu.memory_space<semaphore_mem>>
        %dma_start3A = arith.constant 0 : i32
        %dma_start3A_76 = tpu.memref_slice %arg6[%add3A_75, %dma_start3A] : memref<10240x128xf32, #tpu.memory_space<hbm>> -> memref<128x128xf32, #tpu.memory_space<hbm>>
        %dma_start3A_77 = arith.constant 0 : i32
        %dma_start3A_78 = tpu.memref_slice %arg6[%add3A_75, %dma_start3A_77] : memref<10240x128xf32, #tpu.memory_space<hbm>> -> memref<128x128xf32, #tpu.memory_space<hbm>>
        tpu.enqueue_dma source(%arg10 : memref<128x128xf32, #tpu.memory_space<vmem>>) target(%dma_start3A_78 : memref<128x128xf32, #tpu.memory_space<hbm>>) target_semaphore(%run_scoped3A : memref<!tpu.dma_semaphore, #tpu.memory_space<semaphore_mem>>)
        %dma_wait3A = arith.constant 0 : i32
        %dma_wait3A_79 = tpu.memref_slice %arg6[%add3A_75, %dma_wait3A] : memref<10240x128xf32, #tpu.memory_space<hbm>> -> memref<128x128xf32, #tpu.memory_space<hbm>>
        %dma_wait3A_80 = arith.constant 0 : i32
        %dma_wait3A_81 = tpu.memref_slice %arg6[%add3A_75, %dma_wait3A_80] : memref<10240x128xf32, #tpu.memory_space<hbm>> -> memref<128x128xf32, #tpu.memory_space<hbm>>
        tpu.wait_dma2 semaphore(%run_scoped3A : memref<!tpu.dma_semaphore, #tpu.memory_space<semaphore_mem>>) src(%arg10 : memref<128x128xf32, #tpu.memory_space<vmem>>) dst(%dma_wait3A_81 : memref<128x128xf32, #tpu.memory_space<hbm>>)
        tpu.yield
      }) : () -> ()
    } else {
    }
    %eq3A_25 = arith.constant 1 : i32
    %eq3A_26 = arith.cmpi eq, %arg0, %eq3A_25 : i32
    %convert_element_type3A_27 = arith.extui %eq3A_26 : i1 to i32
    %cond3A_28 = arith.constant 0 : i32
    %cond3A_29 = arith.cmpi ne, %convert_element_type3A_27, %cond3A_28 : i32
    scf.if %cond3A_29 {
      %scan3A_30 = arith.constant 0 : i32
      %scan3A_31 = arith.constant 5 : i32
      %scan3A_32 = arith.addi %scan3A_30, %scan3A_31 : i32
      %scan3A_33 = arith.constant 1 : i32
      scf.for %scan3A_76 = %scan3A_30 to %scan3A_32 step %scan3A_33  : i32 {
        %mul3A_77 = arith.constant 1 : i32
        %mul3A_78 = arith.muli %scan3A_76, %mul3A_77 : i32
        %add3A_79 = arith.constant 0 : i32
        %add3A_80 = arith.addi %add3A_79, %mul3A_78 : i32
        %mul3A_81 = arith.constant 32 : i32
        %mul3A_82 = arith.muli %add3A_80, %mul3A_81 : i32
        "tpu.region"() ({
          %run_scoped3A = tpu.sem_alloc : memref<!tpu.dma_semaphore, #tpu.memory_space<semaphore_mem>>
          %dma_start3A_96 = arith.constant 0 : i32
          %dma_start3A_97 = tpu.memref_slice %arg4[%arg1, %mul3A_82, %dma_start3A_96] : memref<16x160x128xi32, #tpu.memory_space<hbm>> -> memref<1x32x128xi32, #tpu.memory_space<hbm>>
          %dma_start3A_98 = tpu.memref_squeeze %dma_start3A_97 : memref<1x32x128xi32, #tpu.memory_space<hbm>> -> memref<32x128xi32, #tpu.memory_space<hbm>>
          %dma_start3A_99 = arith.constant 0 : i32
          %dma_start3A_100 = tpu.memref_slice %arg4[%arg1, %mul3A_82, %dma_start3A_99] : memref<16x160x128xi32, #tpu.memory_space<hbm>> -> memref<1x32x128xi32, #tpu.memory_space<hbm>>
          %dma_start3A_101 = tpu.memref_squeeze %dma_start3A_100 : memref<1x32x128xi32, #tpu.memory_space<hbm>> -> memref<32x128xi32, #tpu.memory_space<hbm>>
          tpu.enqueue_dma source(%dma_start3A_101 : memref<32x128xi32, #tpu.memory_space<hbm>>) target(%arg8 : memref<32x128xi32, #tpu.memory_space<vmem>>) target_semaphore(%run_scoped3A : memref<!tpu.dma_semaphore, #tpu.memory_space<semaphore_mem>>)
          %dma_wait3A = arith.constant 0 : i32
          %dma_wait3A_102 = tpu.memref_slice %arg4[%arg1, %mul3A_82, %dma_wait3A] : memref<16x160x128xi32, #tpu.memory_space<hbm>> -> memref<1x32x128xi32, #tpu.memory_space<hbm>>
          %dma_wait3A_103 = tpu.memref_squeeze %dma_wait3A_102 : memref<1x32x128xi32, #tpu.memory_space<hbm>> -> memref<32x128xi32, #tpu.memory_space<hbm>>
          %dma_wait3A_104 = arith.constant 0 : i32
          %dma_wait3A_105 = tpu.memref_slice %arg4[%arg1, %mul3A_82, %dma_wait3A_104] : memref<16x160x128xi32, #tpu.memory_space<hbm>> -> memref<1x32x128xi32, #tpu.memory_space<hbm>>
          %dma_wait3A_106 = tpu.memref_squeeze %dma_wait3A_105 : memref<1x32x128xi32, #tpu.memory_space<hbm>> -> memref<32x128xi32, #tpu.memory_space<hbm>>
          tpu.wait_dma2 semaphore(%run_scoped3A : memref<!tpu.dma_semaphore, #tpu.memory_space<semaphore_mem>>) src(%dma_wait3A_106 : memref<32x128xi32, #tpu.memory_space<hbm>>) dst(%arg8 : memref<32x128xi32, #tpu.memory_space<vmem>>)
          tpu.yield
        }) : () -> ()
        %mul3A_83 = arith.constant 32 : i32
        %mul3A_84 = arith.muli %add3A_80, %mul3A_83 : i32
        "tpu.region"() ({
          %run_scoped3A = tpu.sem_alloc : memref<!tpu.dma_semaphore, #tpu.memory_space<semaphore_mem>>
          %dma_start3A_96 = arith.constant 0 : i32
          %dma_start3A_97 = tpu.memref_slice %arg5[%arg1, %mul3A_84, %dma_start3A_96] : memref<16x160x128xi32, #tpu.memory_space<hbm>> -> memref<1x32x128xi32, #tpu.memory_space<hbm>>
          %dma_start3A_98 = tpu.memref_squeeze %dma_start3A_97 : memref<1x32x128xi32, #tpu.memory_space<hbm>> -> memref<32x128xi32, #tpu.memory_space<hbm>>
          %dma_start3A_99 = arith.constant 0 : i32
          %dma_start3A_100 = tpu.memref_slice %arg5[%arg1, %mul3A_84, %dma_start3A_99] : memref<16x160x128xi32, #tpu.memory_space<hbm>> -> memref<1x32x128xi32, #tpu.memory_space<hbm>>
          %dma_start3A_101 = tpu.memref_squeeze %dma_start3A_100 : memref<1x32x128xi32, #tpu.memory_space<hbm>> -> memref<32x128xi32, #tpu.memory_space<hbm>>
          tpu.enqueue_dma source(%dma_start3A_101 : memref<32x128xi32, #tpu.memory_space<hbm>>) target(%arg9 : memref<32x128xi32, #tpu.memory_space<vmem>>) target_semaphore(%run_scoped3A : memref<!tpu.dma_semaphore, #tpu.memory_space<semaphore_mem>>)
          %dma_wait3A = arith.constant 0 : i32
          %dma_wait3A_102 = tpu.memref_slice %arg5[%arg1, %mul3A_84, %dma_wait3A] : memref<16x160x128xi32, #tpu.memory_space<hbm>> -> memref<1x32x128xi32, #tpu.memory_space<hbm>>
          %dma_wait3A_103 = tpu.memref_squeeze %dma_wait3A_102 : memref<1x32x128xi32, #tpu.memory_space<hbm>> -> memref<32x128xi32, #tpu.memory_space<hbm>>
          %dma_wait3A_104 = arith.constant 0 : i32
          %dma_wait3A_105 = tpu.memref_slice %arg5[%arg1, %mul3A_84, %dma_wait3A_104] : memref<16x160x128xi32, #tpu.memory_space<hbm>> -> memref<1x32x128xi32, #tpu.memory_space<hbm>>
          %dma_wait3A_106 = tpu.memref_squeeze %dma_wait3A_105 : memref<1x32x128xi32, #tpu.memory_space<hbm>> -> memref<32x128xi32, #tpu.memory_space<hbm>>
          tpu.wait_dma2 semaphore(%run_scoped3A : memref<!tpu.dma_semaphore, #tpu.memory_space<semaphore_mem>>) src(%dma_wait3A_106 : memref<32x128xi32, #tpu.memory_space<hbm>>) dst(%arg9 : memref<32x128xi32, #tpu.memory_space<vmem>>)
          tpu.yield
        }) : () -> ()
        %dma_start3A = arith.constant 0 : i32
        %dma_start3A_85 = arith.constant 0 : i32
        %dma_start3A_86 = tpu.memref_slice %arg8[%dma_start3A, %dma_start3A_85] : memref<32x128xi32, #tpu.memory_space<vmem>> -> memref<1x128xi32, #tpu.memory_space<vmem>>
        %dma_start3A_87 = tpu.memref_squeeze %dma_start3A_86 : memref<1x128xi32, #tpu.memory_space<vmem>> -> memref<128xi32, #tpu.memory_space<vmem>>
        %dma_start3A_88 = arith.constant 0 : i32
        %dma_start3A_89 = arith.constant 0 : i32
        %dma_start3A_90 = tpu.memref_slice %arg3[%dma_start3A_88, %dma_start3A_89] : memref<10000x128xf32, #tpu.memory_space<hbm>> -> memref<10000x128xf32, #tpu.memory_space<hbm>>
        tpu.enqueue_indirect_dma source(%dma_start3A_90 : memref<10000x128xf32, #tpu.memory_space<hbm>>) target(%arg10 : memref<128x128xf32, #tpu.memory_space<vmem>>) offsets(%dma_start3A_87 : memref<128xi32, #tpu.memory_space<vmem>>) semaphore(%arg12 : memref<!tpu.dma_semaphore, #tpu.memory_space<semaphore_mem>>)
        %scan3A_91 = arith.constant 0 : i32
        %scan3A_92 = arith.constant 16 : i32
        %scan3A_93 = arith.addi %scan3A_91, %scan3A_92 : i32
        %scan3A_94 = arith.constant 1 : i32
        scf.for %scan3A_96 = %scan3A_91 to %scan3A_93 step %scan3A_94  : i32 {
          %mul3A_97 = arith.constant 2 : i32
          %mul3A_98 = arith.muli %scan3A_96, %mul3A_97 : i32
          %add3A_99 = arith.constant 0 : i32
          %add3A_100 = arith.addi %add3A_99, %mul3A_98 : i32
          %dma_wait3A = arith.constant 0 : i32
          %dma_wait3A_101 = tpu.memref_slice %arg8[%add3A_100, %dma_wait3A] : memref<32x128xi32, #tpu.memory_space<vmem>> -> memref<1x128xi32, #tpu.memory_space<vmem>>
          %dma_wait3A_102 = tpu.memref_squeeze %dma_wait3A_101 : memref<1x128xi32, #tpu.memory_space<vmem>> -> memref<128xi32, #tpu.memory_space<vmem>>
          %dma_wait3A_103 = arith.constant 0 : i32
          %dma_wait3A_104 = arith.constant 0 : i32
          %dma_wait3A_105 = tpu.memref_slice %arg3[%dma_wait3A_103, %dma_wait3A_104] : memref<10000x128xf32, #tpu.memory_space<hbm>> -> memref<10000x128xf32, #tpu.memory_space<hbm>>
          tpu.wait_indirect_dma semaphore(%arg12 : memref<!tpu.dma_semaphore, #tpu.memory_space<semaphore_mem>>) src(%dma_wait3A_105 : memref<10000x128xf32, #tpu.memory_space<hbm>>) dst(%arg10 : memref<128x128xf32, #tpu.memory_space<vmem>>)
          %add3A_106 = arith.constant 1 : i32
          %add3A_107 = arith.addi %add3A_100, %add3A_106 : i32
          %dma_start3A_108 = arith.constant 0 : i32
          %dma_start3A_109 = tpu.memref_slice %arg8[%add3A_107, %dma_start3A_108] : memref<32x128xi32, #tpu.memory_space<vmem>> -> memref<1x128xi32, #tpu.memory_space<vmem>>
          %dma_start3A_110 = tpu.memref_squeeze %dma_start3A_109 : memref<1x128xi32, #tpu.memory_space<vmem>> -> memref<128xi32, #tpu.memory_space<vmem>>
          %dma_start3A_111 = arith.constant 0 : i32
          %dma_start3A_112 = arith.constant 0 : i32
          %dma_start3A_113 = tpu.memref_slice %arg3[%dma_start3A_111, %dma_start3A_112] : memref<10000x128xf32, #tpu.memory_space<hbm>> -> memref<10000x128xf32, #tpu.memory_space<hbm>>
          tpu.enqueue_indirect_dma source(%dma_start3A_113 : memref<10000x128xf32, #tpu.memory_space<hbm>>) target(%arg11 : memref<128x128xf32, #tpu.memory_space<vmem>>) offsets(%dma_start3A_110 : memref<128xi32, #tpu.memory_space<vmem>>) semaphore(%arg13 : memref<!tpu.dma_semaphore, #tpu.memory_space<semaphore_mem>>)
          "tpu.region"() ({
            %run_scoped3A = tpu.sem_alloc : memref<!tpu.dma_semaphore, #tpu.memory_space<semaphore_mem>>
            %dma_start3A_128 = arith.constant 0 : i32
            %dma_start3A_129 = tpu.memref_slice %arg9[%add3A_100, %dma_start3A_128] : memref<32x128xi32, #tpu.memory_space<vmem>> -> memref<1x128xi32, #tpu.memory_space<vmem>>
            %dma_start3A_130 = tpu.memref_squeeze %dma_start3A_129 : memref<1x128xi32, #tpu.memory_space<vmem>> -> memref<128xi32, #tpu.memory_space<vmem>>
            %dma_start3A_131 = arith.constant 0 : i32
            %dma_start3A_132 = arith.constant 0 : i32
            %dma_start3A_133 = tpu.memref_slice %arg14[%dma_start3A_131, %dma_start3A_132] : memref<10240x128xf32, #tpu.memory_space<vmem_shared>> -> memref<10240x128xf32, #tpu.memory_space<vmem_shared>>
            tpu.enqueue_indirect_dma source(%arg10 : memref<128x128xf32, #tpu.memory_space<vmem>>) target(%dma_start3A_133 : memref<10240x128xf32, #tpu.memory_space<vmem_shared>>) offsets(%dma_start3A_130 : memref<128xi32, #tpu.memory_space<vmem>>) semaphore(%run_scoped3A : memref<!tpu.dma_semaphore, #tpu.memory_space<semaphore_mem>>) {add = true}
            %dma_wait3A_134 = arith.constant 0 : i32
            %dma_wait3A_135 = tpu.memref_slice %arg9[%add3A_100, %dma_wait3A_134] : memref<32x128xi32, #tpu.memory_space<vmem>> -> memref<1x128xi32, #tpu.memory_space<vmem>>
            %dma_wait3A_136 = tpu.memref_squeeze %dma_wait3A_135 : memref<1x128xi32, #tpu.memory_space<vmem>> -> memref<128xi32, #tpu.memory_space<vmem>>
            %dma_wait3A_137 = arith.constant 0 : i32
            %dma_wait3A_138 = arith.constant 0 : i32
            %dma_wait3A_139 = tpu.memref_slice %arg14[%dma_wait3A_137, %dma_wait3A_138] : memref<10240x128xf32, #tpu.memory_space<vmem_shared>> -> memref<10240x128xf32, #tpu.memory_space<vmem_shared>>
            tpu.wait_indirect_dma semaphore(%run_scoped3A : memref<!tpu.dma_semaphore, #tpu.memory_space<semaphore_mem>>) src(%arg10 : memref<128x128xf32, #tpu.memory_space<vmem>>) dst(%dma_wait3A_139 : memref<10240x128xf32, #tpu.memory_space<vmem_shared>>)
            tpu.yield
          }) : () -> ()
          %dma_wait3A_114 = arith.constant 0 : i32
          %dma_wait3A_115 = tpu.memref_slice %arg8[%add3A_100, %dma_wait3A_114] : memref<32x128xi32, #tpu.memory_space<vmem>> -> memref<1x128xi32, #tpu.memory_space<vmem>>
          %dma_wait3A_116 = tpu.memref_squeeze %dma_wait3A_115 : memref<1x128xi32, #tpu.memory_space<vmem>> -> memref<128xi32, #tpu.memory_space<vmem>>
          %dma_wait3A_117 = arith.constant 0 : i32
          %dma_wait3A_118 = arith.constant 0 : i32
          %dma_wait3A_119 = tpu.memref_slice %arg3[%dma_wait3A_117, %dma_wait3A_118] : memref<10000x128xf32, #tpu.memory_space<hbm>> -> memref<10000x128xf32, #tpu.memory_space<hbm>>
          tpu.wait_indirect_dma semaphore(%arg13 : memref<!tpu.dma_semaphore, #tpu.memory_space<semaphore_mem>>) src(%dma_wait3A_119 : memref<10000x128xf32, #tpu.memory_space<hbm>>) dst(%arg11 : memref<128x128xf32, #tpu.memory_space<vmem>>)
          %add3A_120 = arith.constant 2 : i32
          %add3A_121 = arith.addi %add3A_100, %add3A_120 : i32
          %lt3A = arith.constant 32 : i32
          %lt3A_122 = arith.cmpi slt, %add3A_121, %lt3A : i32
          %convert_element_type3A_123 = arith.extui %lt3A_122 : i1 to i32
          %cond3A_124 = arith.constant 0 : i32
          %cond3A_125 = arith.cmpi ne, %convert_element_type3A_123, %cond3A_124 : i32
          scf.if %cond3A_125 {
            %add3A_128 = arith.constant 2 : i32
            %add3A_129 = arith.addi %add3A_100, %add3A_128 : i32
            %dma_start3A_130 = arith.constant 0 : i32
            %dma_start3A_131 = tpu.memref_slice %arg8[%add3A_129, %dma_start3A_130] : memref<32x128xi32, #tpu.memory_space<vmem>> -> memref<1x128xi32, #tpu.memory_space<vmem>>
            %dma_start3A_132 = tpu.memref_squeeze %dma_start3A_131 : memref<1x128xi32, #tpu.memory_space<vmem>> -> memref<128xi32, #tpu.memory_space<vmem>>
            %dma_start3A_133 = arith.constant 0 : i32
            %dma_start3A_134 = arith.constant 0 : i32
            %dma_start3A_135 = tpu.memref_slice %arg3[%dma_start3A_133, %dma_start3A_134] : memref<10000x128xf32, #tpu.memory_space<hbm>> -> memref<10000x128xf32, #tpu.memory_space<hbm>>
            tpu.enqueue_indirect_dma source(%dma_start3A_135 : memref<10000x128xf32, #tpu.memory_space<hbm>>) target(%arg10 : memref<128x128xf32, #tpu.memory_space<vmem>>) offsets(%dma_start3A_132 : memref<128xi32, #tpu.memory_space<vmem>>) semaphore(%arg12 : memref<!tpu.dma_semaphore, #tpu.memory_space<semaphore_mem>>)
          } else {
          }
          %add3A_126 = arith.constant 1 : i32
          %add3A_127 = arith.addi %add3A_100, %add3A_126 : i32
          "tpu.region"() ({
            %run_scoped3A = tpu.sem_alloc : memref<!tpu.dma_semaphore, #tpu.memory_space<semaphore_mem>>
            %dma_start3A_128 = arith.constant 0 : i32
            %dma_start3A_129 = tpu.memref_slice %arg9[%add3A_127, %dma_start3A_128] : memref<32x128xi32, #tpu.memory_space<vmem>> -> memref<1x128xi32, #tpu.memory_space<vmem>>
            %dma_start3A_130 = tpu.memref_squeeze %dma_start3A_129 : memref<1x128xi32, #tpu.memory_space<vmem>> -> memref<128xi32, #tpu.memory_space<vmem>>
            %dma_start3A_131 = arith.constant 0 : i32
            %dma_start3A_132 = arith.constant 0 : i32
            %dma_start3A_133 = tpu.memref_slice %arg14[%dma_start3A_131, %dma_start3A_132] : memref<10240x128xf32, #tpu.memory_space<vmem_shared>> -> memref<10240x128xf32, #tpu.memory_space<vmem_shared>>
            tpu.enqueue_indirect_dma source(%arg11 : memref<128x128xf32, #tpu.memory_space<vmem>>) target(%dma_start3A_133 : memref<10240x128xf32, #tpu.memory_space<vmem_shared>>) offsets(%dma_start3A_130 : memref<128xi32, #tpu.memory_space<vmem>>) semaphore(%run_scoped3A : memref<!tpu.dma_semaphore, #tpu.memory_space<semaphore_mem>>) {add = true}
            %dma_wait3A_134 = arith.constant 0 : i32
            %dma_wait3A_135 = tpu.memref_slice %arg9[%add3A_127, %dma_wait3A_134] : memref<32x128xi32, #tpu.memory_space<vmem>> -> memref<1x128xi32, #tpu.memory_space<vmem>>
            %dma_wait3A_136 = tpu.memref_squeeze %dma_wait3A_135 : memref<1x128xi32, #tpu.memory_space<vmem>> -> memref<128xi32, #tpu.memory_space<vmem>>
            %dma_wait3A_137 = arith.constant 0 : i32
            %dma_wait3A_138 = arith.constant 0 : i32
            %dma_wait3A_139 = tpu.memref_slice %arg14[%dma_wait3A_137, %dma_wait3A_138] : memref<10240x128xf32, #tpu.memory_space<vmem_shared>> -> memref<10240x128xf32, #tpu.memory_space<vmem_shared>>
            tpu.wait_indirect_dma semaphore(%run_scoped3A : memref<!tpu.dma_semaphore, #tpu.memory_space<semaphore_mem>>) src(%arg11 : memref<128x128xf32, #tpu.memory_space<vmem>>) dst(%dma_wait3A_139 : memref<10240x128xf32, #tpu.memory_space<vmem_shared>>)
            tpu.yield
          }) : () -> ()
        }
        %scan3A_95 = arith.constant 16 : i32
      }
      %scan3A_34 = arith.constant 5 : i32
      %barrier3A_35 = arith.constant 0 : index
      tpu.barrier barrier_id(%barrier3A_35)
      %mul3A_36 = arith.constant 640 : i32
      %mul3A_37 = arith.muli %arg1, %mul3A_36 : i32
      %add3A_38 = arith.constant 0 : i32
      %add3A_39 = arith.addi %mul3A_37, %add3A_38 : i32
      "tpu.region"() ({
        %run_scoped3A = tpu.sem_alloc : memref<!tpu.dma_semaphore, #tpu.memory_space<semaphore_mem>>
        %dma_start3A = arith.constant 0 : i32
        %dma_start3A_76 = tpu.memref_slice %arg14[%add3A_39, %dma_start3A] : memref<10240x128xf32, #tpu.memory_space<vmem_shared>> -> memref<128x128xf32, #tpu.memory_space<vmem_shared>>
        %dma_start3A_77 = arith.constant 0 : i32
        %dma_start3A_78 = tpu.memref_slice %arg14[%add3A_39, %dma_start3A_77] : memref<10240x128xf32, #tpu.memory_space<vmem_shared>> -> memref<128x128xf32, #tpu.memory_space<vmem_shared>>
        tpu.enqueue_dma source(%dma_start3A_78 : memref<128x128xf32, #tpu.memory_space<vmem_shared>>) target(%arg10 : memref<128x128xf32, #tpu.memory_space<vmem>>) target_semaphore(%run_scoped3A : memref<!tpu.dma_semaphore, #tpu.memory_space<semaphore_mem>>)
        %dma_wait3A = arith.constant 0 : i32
        %dma_wait3A_79 = tpu.memref_slice %arg14[%add3A_39, %dma_wait3A] : memref<10240x128xf32, #tpu.memory_space<vmem_shared>> -> memref<128x128xf32, #tpu.memory_space<vmem_shared>>
        %dma_wait3A_80 = arith.constant 0 : i32
        %dma_wait3A_81 = tpu.memref_slice %arg14[%add3A_39, %dma_wait3A_80] : memref<10240x128xf32, #tpu.memory_space<vmem_shared>> -> memref<128x128xf32, #tpu.memory_space<vmem_shared>>
        tpu.wait_dma2 semaphore(%run_scoped3A : memref<!tpu.dma_semaphore, #tpu.memory_space<semaphore_mem>>) src(%dma_wait3A_81 : memref<128x128xf32, #tpu.memory_space<vmem_shared>>) dst(%arg10 : memref<128x128xf32, #tpu.memory_space<vmem>>)
        tpu.yield
      }) : () -> ()
      %mul3A_40 = arith.constant 640 : i32
      %mul3A_41 = arith.muli %arg1, %mul3A_40 : i32
      %add3A_42 = arith.constant 0 : i32
      %add3A_43 = arith.addi %mul3A_41, %add3A_42 : i32
      "tpu.region"() ({
        %run_scoped3A = tpu.sem_alloc : memref<!tpu.dma_semaphore, #tpu.memory_space<semaphore_mem>>
        %dma_start3A = arith.constant 0 : i32
        %dma_start3A_76 = tpu.memref_slice %arg7[%add3A_43, %dma_start3A] : memref<10240x128xf32, #tpu.memory_space<hbm>> -> memref<128x128xf32, #tpu.memory_space<hbm>>
        %dma_start3A_77 = arith.constant 0 : i32
        %dma_start3A_78 = tpu.memref_slice %arg7[%add3A_43, %dma_start3A_77] : memref<10240x128xf32, #tpu.memory_space<hbm>> -> memref<128x128xf32, #tpu.memory_space<hbm>>
        tpu.enqueue_dma source(%arg10 : memref<128x128xf32, #tpu.memory_space<vmem>>) target(%dma_start3A_78 : memref<128x128xf32, #tpu.memory_space<hbm>>) target_semaphore(%run_scoped3A : memref<!tpu.dma_semaphore, #tpu.memory_space<semaphore_mem>>)
        %dma_wait3A = arith.constant 0 : i32
        %dma_wait3A_79 = tpu.memref_slice %arg7[%add3A_43, %dma_wait3A] : memref<10240x128xf32, #tpu.memory_space<hbm>> -> memref<128x128xf32, #tpu.memory_space<hbm>>
        %dma_wait3A_80 = arith.constant 0 : i32
        %dma_wait3A_81 = tpu.memref_slice %arg7[%add3A_43, %dma_wait3A_80] : memref<10240x128xf32, #tpu.memory_space<hbm>> -> memref<128x128xf32, #tpu.memory_space<hbm>>
        tpu.wait_dma2 semaphore(%run_scoped3A : memref<!tpu.dma_semaphore, #tpu.memory_space<semaphore_mem>>) src(%arg10 : memref<128x128xf32, #tpu.memory_space<vmem>>) dst(%dma_wait3A_81 : memref<128x128xf32, #tpu.memory_space<hbm>>)
        tpu.yield
      }) : () -> ()
      %mul3A_44 = arith.constant 640 : i32
      %mul3A_45 = arith.muli %arg1, %mul3A_44 : i32
      %add3A_46 = arith.constant 128 : i32
      %add3A_47 = arith.addi %mul3A_45, %add3A_46 : i32
      "tpu.region"() ({
        %run_scoped3A = tpu.sem_alloc : memref<!tpu.dma_semaphore, #tpu.memory_space<semaphore_mem>>
        %dma_start3A = arith.constant 0 : i32
        %dma_start3A_76 = tpu.memref_slice %arg14[%add3A_47, %dma_start3A] : memref<10240x128xf32, #tpu.memory_space<vmem_shared>> -> memref<128x128xf32, #tpu.memory_space<vmem_shared>>
        %dma_start3A_77 = arith.constant 0 : i32
        %dma_start3A_78 = tpu.memref_slice %arg14[%add3A_47, %dma_start3A_77] : memref<10240x128xf32, #tpu.memory_space<vmem_shared>> -> memref<128x128xf32, #tpu.memory_space<vmem_shared>>
        tpu.enqueue_dma source(%dma_start3A_78 : memref<128x128xf32, #tpu.memory_space<vmem_shared>>) target(%arg10 : memref<128x128xf32, #tpu.memory_space<vmem>>) target_semaphore(%run_scoped3A : memref<!tpu.dma_semaphore, #tpu.memory_space<semaphore_mem>>)
        %dma_wait3A = arith.constant 0 : i32
        %dma_wait3A_79 = tpu.memref_slice %arg14[%add3A_47, %dma_wait3A] : memref<10240x128xf32, #tpu.memory_space<vmem_shared>> -> memref<128x128xf32, #tpu.memory_space<vmem_shared>>
        %dma_wait3A_80 = arith.constant 0 : i32
        %dma_wait3A_81 = tpu.memref_slice %arg14[%add3A_47, %dma_wait3A_80] : memref<10240x128xf32, #tpu.memory_space<vmem_shared>> -> memref<128x128xf32, #tpu.memory_space<vmem_shared>>
        tpu.wait_dma2 semaphore(%run_scoped3A : memref<!tpu.dma_semaphore, #tpu.memory_space<semaphore_mem>>) src(%dma_wait3A_81 : memref<128x128xf32, #tpu.memory_space<vmem_shared>>) dst(%arg10 : memref<128x128xf32, #tpu.memory_space<vmem>>)
        tpu.yield
      }) : () -> ()
      %mul3A_48 = arith.constant 640 : i32
      %mul3A_49 = arith.muli %arg1, %mul3A_48 : i32
      %add3A_50 = arith.constant 128 : i32
      %add3A_51 = arith.addi %mul3A_49, %add3A_50 : i32
      "tpu.region"() ({
        %run_scoped3A = tpu.sem_alloc : memref<!tpu.dma_semaphore, #tpu.memory_space<semaphore_mem>>
        %dma_start3A = arith.constant 0 : i32
        %dma_start3A_76 = tpu.memref_slice %arg7[%add3A_51, %dma_start3A] : memref<10240x128xf32, #tpu.memory_space<hbm>> -> memref<128x128xf32, #tpu.memory_space<hbm>>
        %dma_start3A_77 = arith.constant 0 : i32
        %dma_start3A_78 = tpu.memref_slice %arg7[%add3A_51, %dma_start3A_77] : memref<10240x128xf32, #tpu.memory_space<hbm>> -> memref<128x128xf32, #tpu.memory_space<hbm>>
        tpu.enqueue_dma source(%arg10 : memref<128x128xf32, #tpu.memory_space<vmem>>) target(%dma_start3A_78 : memref<128x128xf32, #tpu.memory_space<hbm>>) target_semaphore(%run_scoped3A : memref<!tpu.dma_semaphore, #tpu.memory_space<semaphore_mem>>)
        %dma_wait3A = arith.constant 0 : i32
        %dma_wait3A_79 = tpu.memref_slice %arg7[%add3A_51, %dma_wait3A] : memref<10240x128xf32, #tpu.memory_space<hbm>> -> memref<128x128xf32, #tpu.memory_space<hbm>>
        %dma_wait3A_80 = arith.constant 0 : i32
        %dma_wait3A_81 = tpu.memref_slice %arg7[%add3A_51, %dma_wait3A_80] : memref<10240x128xf32, #tpu.memory_space<hbm>> -> memref<128x128xf32, #tpu.memory_space<hbm>>
        tpu.wait_dma2 semaphore(%run_scoped3A : memref<!tpu.dma_semaphore, #tpu.memory_space<semaphore_mem>>) src(%arg10 : memref<128x128xf32, #tpu.memory_space<vmem>>) dst(%dma_wait3A_81 : memref<128x128xf32, #tpu.memory_space<hbm>>)
        tpu.yield
      }) : () -> ()
      %mul3A_52 = arith.constant 640 : i32
      %mul3A_53 = arith.muli %arg1, %mul3A_52 : i32
      %add3A_54 = arith.constant 256 : i32
      %add3A_55 = arith.addi %mul3A_53, %add3A_54 : i32
      "tpu.region"() ({
        %run_scoped3A = tpu.sem_alloc : memref<!tpu.dma_semaphore, #tpu.memory_space<semaphore_mem>>
        %dma_start3A = arith.constant 0 : i32
        %dma_start3A_76 = tpu.memref_slice %arg14[%add3A_55, %dma_start3A] : memref<10240x128xf32, #tpu.memory_space<vmem_shared>> -> memref<128x128xf32, #tpu.memory_space<vmem_shared>>
        %dma_start3A_77 = arith.constant 0 : i32
        %dma_start3A_78 = tpu.memref_slice %arg14[%add3A_55, %dma_start3A_77] : memref<10240x128xf32, #tpu.memory_space<vmem_shared>> -> memref<128x128xf32, #tpu.memory_space<vmem_shared>>
        tpu.enqueue_dma source(%dma_start3A_78 : memref<128x128xf32, #tpu.memory_space<vmem_shared>>) target(%arg10 : memref<128x128xf32, #tpu.memory_space<vmem>>) target_semaphore(%run_scoped3A : memref<!tpu.dma_semaphore, #tpu.memory_space<semaphore_mem>>)
        %dma_wait3A = arith.constant 0 : i32
        %dma_wait3A_79 = tpu.memref_slice %arg14[%add3A_55, %dma_wait3A] : memref<10240x128xf32, #tpu.memory_space<vmem_shared>> -> memref<128x128xf32, #tpu.memory_space<vmem_shared>>
        %dma_wait3A_80 = arith.constant 0 : i32
        %dma_wait3A_81 = tpu.memref_slice %arg14[%add3A_55, %dma_wait3A_80] : memref<10240x128xf32, #tpu.memory_space<vmem_shared>> -> memref<128x128xf32, #tpu.memory_space<vmem_shared>>
        tpu.wait_dma2 semaphore(%run_scoped3A : memref<!tpu.dma_semaphore, #tpu.memory_space<semaphore_mem>>) src(%dma_wait3A_81 : memref<128x128xf32, #tpu.memory_space<vmem_shared>>) dst(%arg10 : memref<128x128xf32, #tpu.memory_space<vmem>>)
        tpu.yield
      }) : () -> ()
      %mul3A_56 = arith.constant 640 : i32
      %mul3A_57 = arith.muli %arg1, %mul3A_56 : i32
      %add3A_58 = arith.constant 256 : i32
      %add3A_59 = arith.addi %mul3A_57, %add3A_58 : i32
      "tpu.region"() ({
        %run_scoped3A = tpu.sem_alloc : memref<!tpu.dma_semaphore, #tpu.memory_space<semaphore_mem>>
        %dma_start3A = arith.constant 0 : i32
        %dma_start3A_76 = tpu.memref_slice %arg7[%add3A_59, %dma_start3A] : memref<10240x128xf32, #tpu.memory_space<hbm>> -> memref<128x128xf32, #tpu.memory_space<hbm>>
        %dma_start3A_77 = arith.constant 0 : i32
        %dma_start3A_78 = tpu.memref_slice %arg7[%add3A_59, %dma_start3A_77] : memref<10240x128xf32, #tpu.memory_space<hbm>> -> memref<128x128xf32, #tpu.memory_space<hbm>>
        tpu.enqueue_dma source(%arg10 : memref<128x128xf32, #tpu.memory_space<vmem>>) target(%dma_start3A_78 : memref<128x128xf32, #tpu.memory_space<hbm>>) target_semaphore(%run_scoped3A : memref<!tpu.dma_semaphore, #tpu.memory_space<semaphore_mem>>)
        %dma_wait3A = arith.constant 0 : i32
        %dma_wait3A_79 = tpu.memref_slice %arg7[%add3A_59, %dma_wait3A] : memref<10240x128xf32, #tpu.memory_space<hbm>> -> memref<128x128xf32, #tpu.memory_space<hbm>>
        %dma_wait3A_80 = arith.constant 0 : i32
        %dma_wait3A_81 = tpu.memref_slice %arg7[%add3A_59, %dma_wait3A_80] : memref<10240x128xf32, #tpu.memory_space<hbm>> -> memref<128x128xf32, #tpu.memory_space<hbm>>
        tpu.wait_dma2 semaphore(%run_scoped3A : memref<!tpu.dma_semaphore, #tpu.memory_space<semaphore_mem>>) src(%arg10 : memref<128x128xf32, #tpu.memory_space<vmem>>) dst(%dma_wait3A_81 : memref<128x128xf32, #tpu.memory_space<hbm>>)
        tpu.yield
      }) : () -> ()
      %mul3A_60 = arith.constant 640 : i32
      %mul3A_61 = arith.muli %arg1, %mul3A_60 : i32
      %add3A_62 = arith.constant 384 : i32
      %add3A_63 = arith.addi %mul3A_61, %add3A_62 : i32
      "tpu.region"() ({
        %run_scoped3A = tpu.sem_alloc : memref<!tpu.dma_semaphore, #tpu.memory_space<semaphore_mem>>
        %dma_start3A = arith.constant 0 : i32
        %dma_start3A_76 = tpu.memref_slice %arg14[%add3A_63, %dma_start3A] : memref<10240x128xf32, #tpu.memory_space<vmem_shared>> -> memref<128x128xf32, #tpu.memory_space<vmem_shared>>
        %dma_start3A_77 = arith.constant 0 : i32
        %dma_start3A_78 = tpu.memref_slice %arg14[%add3A_63, %dma_start3A_77] : memref<10240x128xf32, #tpu.memory_space<vmem_shared>> -> memref<128x128xf32, #tpu.memory_space<vmem_shared>>
        tpu.enqueue_dma source(%dma_start3A_78 : memref<128x128xf32, #tpu.memory_space<vmem_shared>>) target(%arg10 : memref<128x128xf32, #tpu.memory_space<vmem>>) target_semaphore(%run_scoped3A : memref<!tpu.dma_semaphore, #tpu.memory_space<semaphore_mem>>)
        %dma_wait3A = arith.constant 0 : i32
        %dma_wait3A_79 = tpu.memref_slice %arg14[%add3A_63, %dma_wait3A] : memref<10240x128xf32, #tpu.memory_space<vmem_shared>> -> memref<128x128xf32, #tpu.memory_space<vmem_shared>>
        %dma_wait3A_80 = arith.constant 0 : i32
        %dma_wait3A_81 = tpu.memref_slice %arg14[%add3A_63, %dma_wait3A_80] : memref<10240x128xf32, #tpu.memory_space<vmem_shared>> -> memref<128x128xf32, #tpu.memory_space<vmem_shared>>
        tpu.wait_dma2 semaphore(%run_scoped3A : memref<!tpu.dma_semaphore, #tpu.memory_space<semaphore_mem>>) src(%dma_wait3A_81 : memref<128x128xf32, #tpu.memory_space<vmem_shared>>) dst(%arg10 : memref<128x128xf32, #tpu.memory_space<vmem>>)
        tpu.yield
      }) : () -> ()
      %mul3A_64 = arith.constant 640 : i32
      %mul3A_65 = arith.muli %arg1, %mul3A_64 : i32
      %add3A_66 = arith.constant 384 : i32
      %add3A_67 = arith.addi %mul3A_65, %add3A_66 : i32
      "tpu.region"() ({
        %run_scoped3A = tpu.sem_alloc : memref<!tpu.dma_semaphore, #tpu.memory_space<semaphore_mem>>
        %dma_start3A = arith.constant 0 : i32
        %dma_start3A_76 = tpu.memref_slice %arg7[%add3A_67, %dma_start3A] : memref<10240x128xf32, #tpu.memory_space<hbm>> -> memref<128x128xf32, #tpu.memory_space<hbm>>
        %dma_start3A_77 = arith.constant 0 : i32
        %dma_start3A_78 = tpu.memref_slice %arg7[%add3A_67, %dma_start3A_77] : memref<10240x128xf32, #tpu.memory_space<hbm>> -> memref<128x128xf32, #tpu.memory_space<hbm>>
        tpu.enqueue_dma source(%arg10 : memref<128x128xf32, #tpu.memory_space<vmem>>) target(%dma_start3A_78 : memref<128x128xf32, #tpu.memory_space<hbm>>) target_semaphore(%run_scoped3A : memref<!tpu.dma_semaphore, #tpu.memory_space<semaphore_mem>>)
        %dma_wait3A = arith.constant 0 : i32
        %dma_wait3A_79 = tpu.memref_slice %arg7[%add3A_67, %dma_wait3A] : memref<10240x128xf32, #tpu.memory_space<hbm>> -> memref<128x128xf32, #tpu.memory_space<hbm>>
        %dma_wait3A_80 = arith.constant 0 : i32
        %dma_wait3A_81 = tpu.memref_slice %arg7[%add3A_67, %dma_wait3A_80] : memref<10240x128xf32, #tpu.memory_space<hbm>> -> memref<128x128xf32, #tpu.memory_space<hbm>>
        tpu.wait_dma2 semaphore(%run_scoped3A : memref<!tpu.dma_semaphore, #tpu.memory_space<semaphore_mem>>) src(%arg10 : memref<128x128xf32, #tpu.memory_space<vmem>>) dst(%dma_wait3A_81 : memref<128x128xf32, #tpu.memory_space<hbm>>)
        tpu.yield
      }) : () -> ()
      %mul3A_68 = arith.constant 640 : i32
      %mul3A_69 = arith.muli %arg1, %mul3A_68 : i32
      %add3A_70 = arith.constant 512 : i32
      %add3A_71 = arith.addi %mul3A_69, %add3A_70 : i32
      "tpu.region"() ({
        %run_scoped3A = tpu.sem_alloc : memref<!tpu.dma_semaphore, #tpu.memory_space<semaphore_mem>>
        %dma_start3A = arith.constant 0 : i32
        %dma_start3A_76 = tpu.memref_slice %arg14[%add3A_71, %dma_start3A] : memref<10240x128xf32, #tpu.memory_space<vmem_shared>> -> memref<128x128xf32, #tpu.memory_space<vmem_shared>>
        %dma_start3A_77 = arith.constant 0 : i32
        %dma_start3A_78 = tpu.memref_slice %arg14[%add3A_71, %dma_start3A_77] : memref<10240x128xf32, #tpu.memory_space<vmem_shared>> -> memref<128x128xf32, #tpu.memory_space<vmem_shared>>
        tpu.enqueue_dma source(%dma_start3A_78 : memref<128x128xf32, #tpu.memory_space<vmem_shared>>) target(%arg10 : memref<128x128xf32, #tpu.memory_space<vmem>>) target_semaphore(%run_scoped3A : memref<!tpu.dma_semaphore, #tpu.memory_space<semaphore_mem>>)
        %dma_wait3A = arith.constant 0 : i32
        %dma_wait3A_79 = tpu.memref_slice %arg14[%add3A_71, %dma_wait3A] : memref<10240x128xf32, #tpu.memory_space<vmem_shared>> -> memref<128x128xf32, #tpu.memory_space<vmem_shared>>
        %dma_wait3A_80 = arith.constant 0 : i32
        %dma_wait3A_81 = tpu.memref_slice %arg14[%add3A_71, %dma_wait3A_80] : memref<10240x128xf32, #tpu.memory_space<vmem_shared>> -> memref<128x128xf32, #tpu.memory_space<vmem_shared>>
        tpu.wait_dma2 semaphore(%run_scoped3A : memref<!tpu.dma_semaphore, #tpu.memory_space<semaphore_mem>>) src(%dma_wait3A_81 : memref<128x128xf32, #tpu.memory_space<vmem_shared>>) dst(%arg10 : memref<128x128xf32, #tpu.memory_space<vmem>>)
        tpu.yield
      }) : () -> ()
      %mul3A_72 = arith.constant 640 : i32
      %mul3A_73 = arith.muli %arg1, %mul3A_72 : i32
      %add3A_74 = arith.constant 512 : i32
      %add3A_75 = arith.addi %mul3A_73, %add3A_74 : i32
      "tpu.region"() ({
        %run_scoped3A = tpu.sem_alloc : memref<!tpu.dma_semaphore, #tpu.memory_space<semaphore_mem>>
        %dma_start3A = arith.constant 0 : i32
        %dma_start3A_76 = tpu.memref_slice %arg7[%add3A_75, %dma_start3A] : memref<10240x128xf32, #tpu.memory_space<hbm>> -> memref<128x128xf32, #tpu.memory_space<hbm>>
        %dma_start3A_77 = arith.constant 0 : i32
        %dma_start3A_78 = tpu.memref_slice %arg7[%add3A_75, %dma_start3A_77] : memref<10240x128xf32, #tpu.memory_space<hbm>> -> memref<128x128xf32, #tpu.memory_space<hbm>>
        tpu.enqueue_dma source(%arg10 : memref<128x128xf32, #tpu.memory_space<vmem>>) target(%dma_start3A_78 : memref<128x128xf32, #tpu.memory_space<hbm>>) target_semaphore(%run_scoped3A : memref<!tpu.dma_semaphore, #tpu.memory_space<semaphore_mem>>)
        %dma_wait3A = arith.constant 0 : i32
        %dma_wait3A_79 = tpu.memref_slice %arg7[%add3A_75, %dma_wait3A] : memref<10240x128xf32, #tpu.memory_space<hbm>> -> memref<128x128xf32, #tpu.memory_space<hbm>>
        %dma_wait3A_80 = arith.constant 0 : i32
        %dma_wait3A_81 = tpu.memref_slice %arg7[%add3A_75, %dma_wait3A_80] : memref<10240x128xf32, #tpu.memory_space<hbm>> -> memref<128x128xf32, #tpu.memory_space<hbm>>
        tpu.wait_dma2 semaphore(%run_scoped3A : memref<!tpu.dma_semaphore, #tpu.memory_space<semaphore_mem>>) src(%arg10 : memref<128x128xf32, #tpu.memory_space<vmem>>) dst(%dma_wait3A_81 : memref<128x128xf32, #tpu.memory_space<hbm>>)
        tpu.yield
      }) : () -> ()
    } else {
    }
    return
  }
}

module attributes {stable_mosaic.version = 14 : i64} {
  func.func @body(%arg0: i32, %arg1: memref<512x128xf32, #tpu.memory_space<vmem>>, %arg2: memref<128x128xf32, #tpu.memory_space<vmem>>, %arg3: memref<1x128xf32, #tpu.memory_space<vmem>>, %arg4: memref<1x128xf32, #tpu.memory_space<vmem>>) attributes {dimension_semantics = [#tpu.dimension_semantics<arbitrary>], iteration_bounds = array<i64: 20>, scalar_prefetch = 0 : i64, scratch_operands = 1 : i64, tpu.core_type = #tpu.core_type<tc>, window_params = [{transform_indices = @transform_0, window_bounds = array<i64: 512, 128>}, {pipeline_mode = #tpu.pipeline_mode<synchronous>, transform_indices = @transform_1, window_bounds = array<i64: 128, 128>}, {pipeline_mode = #tpu.pipeline_mode<synchronous>, transform_indices = @transform_2, window_bounds = array<i64: 1, 128>}]} {
    %eq3A = arith.constant 0 : i32
    %eq3A_0 = arith.cmpi eq, %arg0, %eq3A : i32
    %convert_element_type3A = arith.extui %eq3A_0 : i1 to i32
    %cond3A = arith.constant 0 : i32
    %cond3A_1 = arith.cmpi ne, %convert_element_type3A, %cond3A : i32
    scf.if %cond3A_1 {
      %broadcast_in_dim3A_27 = arith.constant 0.000000e+00 : f32
      %broadcast_in_dim3A_28 = vector.broadcast %broadcast_in_dim3A_27 : f32 to vector<1x128xf32>
      %swap3A_29 = arith.constant 0 : index
      %swap3A_30 = arith.constant 0 : index
      %swap3A_31 = vector.load %arg4[%swap3A_29, %swap3A_30] : memref<1x128xf32, #tpu.memory_space<vmem>>, vector<1x128xf32>
      tpu.vector_store %arg4[%swap3A_29, %swap3A_30], %broadcast_in_dim3A_28 {strides = array<i32>} : memref<1x128xf32, #tpu.memory_space<vmem>>, vector<1x128xf32>,
    } else {
    }
    %get3A = arith.constant 0 : index
    %get3A_2 = arith.constant 0 : index
    %get3A_3 = vector.load %arg1[%get3A, %get3A_2] : memref<512x128xf32, #tpu.memory_space<vmem>>, vector<512x128xf32>
    %gt3A = arith.constant 0.000000e+00 : f32
    %gt3A_4 = vector.broadcast %gt3A : f32 to vector<512x128xf32>
    %gt3A_5 = arith.cmpf ogt, %get3A_3, %gt3A_4 : vector<512x128xf32>
    %mul3A = arith.constant 2.500000e-01 : f32
    %mul3A_6 = vector.broadcast %mul3A : f32 to vector<512x128xf32>
    %mul3A_7 = arith.mulf %mul3A_6, %get3A_3 : vector<512x128xf32>
    %select_n3A = arith.select %gt3A_5, %get3A_3, %mul3A_7 : vector<512x128xi1>, vector<512x128xf32>
    %mul3A_8 = arith.constant 512 : i32
    %mul3A_9 = arith.muli %arg0, %mul3A_8 : i32
    %iota3A = tpu.iota {dimensions = array<i32: 0>} : vector<512x128xi32>
    %add3A = vector.broadcast %mul3A_9 : i32 to vector<512x128xi32>
    %add3A_10 = arith.addi %add3A, %iota3A : vector<512x128xi32>
    %lt3A = arith.constant 10000 : i32
    %lt3A_11 = vector.broadcast %lt3A : i32 to vector<512x128xi32>
    %lt3A_12 = arith.cmpi slt, %add3A_10, %lt3A_11 : vector<512x128xi32>
    %jit3A = arith.constant 0.000000e+00 : f32
    %broadcast_in_dim3A = vector.broadcast %jit3A : f32 to vector<512x128xf32>
    %select_n3A_13 = arith.select %lt3A_12, %select_n3A, %broadcast_in_dim3A : vector<512x128xi1>, vector<512x128xf32>
    %get3A_14 = arith.constant 0 : index
    %get3A_15 = arith.constant 0 : index
    %get3A_16 = vector.load %arg4[%get3A_14, %get3A_15] : memref<1x128xf32, #tpu.memory_space<vmem>>, vector<1x128xf32>
    %reduce_sum3A = arith.constant dense<0.000000e+00> : vector<128xf32>
    %reduce_sum3A_17 = vector.multi_reduction <add>, %select_n3A_13, %reduce_sum3A [0] : vector<512x128xf32> to vector<128xf32>
    %broadcast_in_dim3A_18 = vector.shape_cast %reduce_sum3A_17 : vector<128xf32> to vector<1x128xf32>
    %add3A_19 = arith.addf %get3A_16, %broadcast_in_dim3A_18 : vector<1x128xf32>
    %swap3A = arith.constant 0 : index
    %swap3A_20 = arith.constant 0 : index
    %swap3A_21 = vector.load %arg4[%swap3A, %swap3A_20] : memref<1x128xf32, #tpu.memory_space<vmem>>, vector<1x128xf32>
    tpu.vector_store %arg4[%swap3A, %swap3A_20], %add3A_19 {strides = array<i32>} : memref<1x128xf32, #tpu.memory_space<vmem>>, vector<1x128xf32>,
    %eq3A_22 = arith.constant 19 : i32
    %eq3A_23 = arith.cmpi eq, %arg0, %eq3A_22 : i32
    %convert_element_type3A_24 = arith.extui %eq3A_23 : i1 to i32
    %cond3A_25 = arith.constant 0 : i32
    %cond3A_26 = arith.cmpi ne, %convert_element_type3A_24, %cond3A_25 : i32
    scf.if %cond3A_26 {
      %get3A_27 = arith.constant 0 : index
      %get3A_28 = arith.constant 0 : index
      %get3A_29 = vector.load %arg4[%get3A_27, %get3A_28] : memref<1x128xf32, #tpu.memory_space<vmem>>, vector<1x128xf32>
      %div3A = arith.constant 1.000000e+04 : f32
      %div3A_30 = vector.broadcast %div3A : f32 to vector<1x128xf32>
      %div3A_31 = arith.divf %get3A_29, %div3A_30 : vector<1x128xf32>
      %neg3A = arith.constant 0.000000e+00 : f32
      %neg3A_32 = vector.broadcast %neg3A : f32 to vector<1x128xf32>
      %neg3A_33 = arith.subf %neg3A_32, %div3A_31 : vector<1x128xf32>
      %exp3A = math.exp %neg3A_33 : vector<1x128xf32>
      %add3A_34 = arith.constant 1.000000e+00 : f32
      %add3A_35 = vector.broadcast %add3A_34 : f32 to vector<1x128xf32>
      %add3A_36 = arith.addf %add3A_35, %exp3A : vector<1x128xf32>
      %div3A_37 = arith.constant 1.000000e+00 : f32
      %div3A_38 = vector.broadcast %div3A_37 : f32 to vector<1x128xf32>
      %div3A_39 = arith.divf %div3A_38, %add3A_36 : vector<1x128xf32>
      %get3A_40 = arith.constant 0 : index
      %get3A_41 = arith.constant 0 : index
      %get3A_42 = vector.load %arg2[%get3A_40, %get3A_41] : memref<128x128xf32, #tpu.memory_space<vmem>>, vector<128x128xf32>
      %reshape3A = vector.shape_cast %div3A_39 : vector<1x128xf32> to vector<128x1xf32>
      %dot_general3A = arith.constant dense<0.000000e+00> : vector<128x1xf32>
      %dot_general3A_43 = tpu.matmul %get3A_42, %reshape3A, %dot_general3A {dimension_numbers = #tpu.dot_dimension_numbers<[1], [0], [0], [1], [0, 0, 1, 1], [], []>, transpose_lhs_hint = false} : vector<128x128xf32>, vector<128x1xf32>, vector<128x1xf32> -> vector<128x1xf32>
      %reshape3A_44 = vector.shape_cast %dot_general3A_43 : vector<128x1xf32> to vector<1x128xf32>
      %swap3A_45 = arith.constant 0 : index
      %swap3A_46 = arith.constant 0 : index
      %swap3A_47 = vector.load %arg3[%swap3A_45, %swap3A_46] : memref<1x128xf32, #tpu.memory_space<vmem>>, vector<1x128xf32>
      tpu.vector_store %arg3[%swap3A_45, %swap3A_46], %reshape3A_44 {strides = array<i32>} : memref<1x128xf32, #tpu.memory_space<vmem>>, vector<1x128xf32>,
    } else {
    }
    return
  }
  func.func @transform_0(%arg0: i32) -> (i32, i32) {
    %c0_i32 = arith.constant 0 : i32
    %c0_i32_0 = arith.constant 0 : i32
    return %arg0, %c0_i32 : i32, i32
  }
  func.func @transform_1(%arg0: i32) -> (i32, i32) {
    %c0_i32 = arith.constant 0 : i32
    %c0_i32_0 = arith.constant 0 : i32
    %c0_i32_1 = arith.constant 0 : i32
    return %c0_i32, %c0_i32_0 : i32, i32
  }
  func.func @transform_2(%arg0: i32) -> (i32, i32) {
    %c0_i32 = arith.constant 0 : i32
    %c0_i32_0 = arith.constant 0 : i32
    %c0_i32_1 = arith.constant 0 : i32
    return %c0_i32, %c0_i32_0 : i32, i32
  }
}

module attributes {stable_mosaic.version = 14 : i64} {
  func.func @body(%arg0: i32, %arg1: memref<400x128xf32, #tpu.memory_space<vmem>>, %arg2: memref<400x128xf32, #tpu.memory_space<vmem>>, %arg3: memref<128x128xf32, #tpu.memory_space<vmem>>, %arg4: memref<1x128xf32, #tpu.memory_space<vmem>>, %arg5: memref<400x128xf32, #tpu.memory_space<vmem>>, %arg6: memref<400x128xf32, #tpu.memory_space<vmem>>) attributes {dimension_semantics = [#tpu.dimension_semantics<arbitrary>], iteration_bounds = array<i64: 25>, scalar_prefetch = 0 : i64, scratch_operands = 0 : i64, tpu.core_type = #tpu.core_type<tc>, window_params = [{transform_indices = @transform_0, window_bounds = array<i64: 400, 128>}, {transform_indices = @transform_1, window_bounds = array<i64: 400, 128>}, {pipeline_mode = #tpu.pipeline_mode<synchronous>, transform_indices = @transform_2, window_bounds = array<i64: 128, 128>}, {pipeline_mode = #tpu.pipeline_mode<synchronous>, transform_indices = @transform_3, window_bounds = array<i64: 1, 128>}, {transform_indices = @transform_4, window_bounds = array<i64: 400, 128>}, {transform_indices = @transform_5, window_bounds = array<i64: 400, 128>}]} {
    %get3A = arith.constant 0 : index
    %get3A_0 = arith.constant 0 : index
    %get3A_1 = vector.load %arg3[%get3A, %get3A_0] : memref<128x128xf32, #tpu.memory_space<vmem>>, vector<128x128xf32>
    %get3A_2 = arith.constant 0 : index
    %get3A_3 = arith.constant 0 : index
    %get3A_4 = vector.load %arg4[%get3A_2, %get3A_3] : memref<1x128xf32, #tpu.memory_space<vmem>>, vector<1x128xf32>
    %get3A_5 = arith.constant 0 : index
    %get3A_6 = arith.constant 0 : index
    %get3A_7 = vector.load %arg1[%get3A_5, %get3A_6] : memref<400x128xf32, #tpu.memory_space<vmem>>, vector<400x128xf32>
    %dot_general3A = arith.constant dense<0.000000e+00> : vector<400x128xf32>
    %dot_general3A_8 = tpu.matmul %get3A_7, %get3A_1, %dot_general3A {dimension_numbers = #tpu.dot_dimension_numbers<[1], [0], [0], [1], [0, 0, 1, 1], [], []>, transpose_lhs_hint = false} : vector<400x128xf32>, vector<128x128xf32>, vector<400x128xf32> -> vector<400x128xf32>
    %add3A = vector.broadcast %get3A_4 : vector<1x128xf32> to vector<400x128xf32>
    %add3A_9 = arith.addf %dot_general3A_8, %add3A : vector<400x128xf32>
    %swap3A = arith.constant 0 : index
    %swap3A_10 = arith.constant 0 : index
    %swap3A_11 = vector.load %arg5[%swap3A, %swap3A_10] : memref<400x128xf32, #tpu.memory_space<vmem>>, vector<400x128xf32>
    tpu.vector_store %arg5[%swap3A, %swap3A_10], %add3A_9 {strides = array<i32>} : memref<400x128xf32, #tpu.memory_space<vmem>>, vector<400x128xf32>,
    %get3A_12 = arith.constant 0 : index
    %get3A_13 = arith.constant 0 : index
    %get3A_14 = vector.load %arg2[%get3A_12, %get3A_13] : memref<400x128xf32, #tpu.memory_space<vmem>>, vector<400x128xf32>
    %dot_general3A_15 = arith.constant dense<0.000000e+00> : vector<400x128xf32>
    %dot_general3A_16 = tpu.matmul %get3A_14, %get3A_1, %dot_general3A_15 {dimension_numbers = #tpu.dot_dimension_numbers<[1], [0], [0], [1], [0, 0, 1, 1], [], []>, transpose_lhs_hint = false} : vector<400x128xf32>, vector<128x128xf32>, vector<400x128xf32> -> vector<400x128xf32>
    %add3A_17 = vector.broadcast %get3A_4 : vector<1x128xf32> to vector<400x128xf32>
    %add3A_18 = arith.addf %dot_general3A_16, %add3A_17 : vector<400x128xf32>
    %swap3A_19 = arith.constant 0 : index
    %swap3A_20 = arith.constant 0 : index
    %swap3A_21 = vector.load %arg6[%swap3A_19, %swap3A_20] : memref<400x128xf32, #tpu.memory_space<vmem>>, vector<400x128xf32>
    tpu.vector_store %arg6[%swap3A_19, %swap3A_20], %add3A_18 {strides = array<i32>} : memref<400x128xf32, #tpu.memory_space<vmem>>, vector<400x128xf32>,
    return
  }
  func.func @transform_0(%arg0: i32) -> (i32, i32) {
    %c0_i32 = arith.constant 0 : i32
    %c0_i32_0 = arith.constant 0 : i32
    return %arg0, %c0_i32 : i32, i32
  }
  func.func @transform_1(%arg0: i32) -> (i32, i32) {
    %c0_i32 = arith.constant 0 : i32
    %c0_i32_0 = arith.constant 0 : i32
    return %arg0, %c0_i32 : i32, i32
  }
  func.func @transform_2(%arg0: i32) -> (i32, i32) {
    %c0_i32 = arith.constant 0 : i32
    %c0_i32_0 = arith.constant 0 : i32
    %c0_i32_1 = arith.constant 0 : i32
    return %c0_i32, %c0_i32_0 : i32, i32
  }
  func.func @transform_3(%arg0: i32) -> (i32, i32) {
    %c0_i32 = arith.constant 0 : i32
    %c0_i32_0 = arith.constant 0 : i32
    %c0_i32_1 = arith.constant 0 : i32
    return %c0_i32, %c0_i32_0 : i32, i32
  }
  func.func @transform_4(%arg0: i32) -> (i32, i32) {
    %c0_i32 = arith.constant 0 : i32
    %c0_i32_0 = arith.constant 0 : i32
    return %arg0, %c0_i32 : i32, i32
  }
  func.func @transform_5(%arg0: i32) -> (i32, i32) {
    %c0_i32 = arith.constant 0 : i32
    %c0_i32_0 = arith.constant 0 : i32
    return %arg0, %c0_i32 : i32, i32
  }
}

module attributes {stable_mosaic.version = 14 : i64} {
  func.func @body(%arg0: i32, %arg1: memref<512x128xf32, #tpu.memory_space<vmem>>, %arg2: memref<512x128xf32, #tpu.memory_space<vmem>>, %arg3: memref<1x128xf32, #tpu.memory_space<vmem>>, %arg4: memref<1x1xf32, #tpu.memory_space<vmem>>, %arg5: memref<1x1x512xf32, #tpu.memory_space<vmem>>, %arg6: memref<1x1x512xf32, #tpu.memory_space<vmem>>) attributes {dimension_semantics = [#tpu.dimension_semantics<arbitrary>], iteration_bounds = array<i64: 20>, scalar_prefetch = 0 : i64, scratch_operands = 0 : i64, tpu.core_type = #tpu.core_type<tc>, window_params = [{transform_indices = @transform_0, window_bounds = array<i64: 512, 128>}, {transform_indices = @transform_1, window_bounds = array<i64: 512, 128>}, {pipeline_mode = #tpu.pipeline_mode<synchronous>, transform_indices = @transform_2, window_bounds = array<i64: 1, 128>}, {pipeline_mode = #tpu.pipeline_mode<synchronous>, transform_indices = @transform_3, window_bounds = array<i64: 1, 1>}, {transform_indices = @transform_4, window_bounds = array<i64: 1, 1, 512>}, {transform_indices = @transform_5, window_bounds = array<i64: 1, 1, 512>}]} {
    %get3A = arith.constant 0 : index
    %get3A_0 = arith.constant 0 : index
    %get3A_1 = vector.load %arg3[%get3A, %get3A_0] : memref<1x128xf32, #tpu.memory_space<vmem>>, vector<1x128xf32>
    %get3A_2 = arith.constant 0 : index
    %get3A_3 = arith.constant 0 : index
    %get3A_4 = vector.load %arg4[%get3A_2, %get3A_3] : memref<1x1xf32, #tpu.memory_space<vmem>>, vector<1x1xf32>
    %get3A_5 = vector.extract %get3A_4[0, 0] : f32 from vector<1x1xf32>
    %get3A_6 = arith.constant 0 : index
    %get3A_7 = arith.constant 0 : index
    %get3A_8 = vector.load %arg1[%get3A_6, %get3A_7] : memref<512x128xf32, #tpu.memory_space<vmem>>, vector<512x128xf32>
    %gt3A = arith.constant 0.000000e+00 : f32
    %gt3A_9 = vector.broadcast %gt3A : f32 to vector<512x128xf32>
    %gt3A_10 = arith.cmpf ogt, %get3A_8, %gt3A_9 : vector<512x128xf32>
    %mul3A = arith.constant 2.500000e-01 : f32
    %mul3A_11 = vector.broadcast %mul3A : f32 to vector<512x128xf32>
    %mul3A_12 = arith.mulf %mul3A_11, %get3A_8 : vector<512x128xf32>
    %select_n3A = arith.select %gt3A_10, %get3A_8, %mul3A_12 : vector<512x128xi1>, vector<512x128xf32>
    %mul3A_13 = vector.broadcast %get3A_1 : vector<1x128xf32> to vector<512x128xf32>
    %mul3A_14 = arith.mulf %select_n3A, %mul3A_13 : vector<512x128xf32>
    %reduce_sum3A = arith.constant dense<0.000000e+00> : vector<512xf32>
    %reduce_sum3A_15 = vector.multi_reduction <add>, %mul3A_14, %reduce_sum3A [1] : vector<512x128xf32> to vector<512xf32>
    %reshape3A = vector.shape_cast %reduce_sum3A_15 : vector<512xf32> to vector<1x1x512xf32>
    %add3A = vector.broadcast %get3A_5 : f32 to vector<1x1x512xf32>
    %add3A_16 = arith.addf %reshape3A, %add3A : vector<1x1x512xf32>
    %swap3A = arith.constant 0 : index
    %swap3A_17 = arith.constant 0 : index
    %swap3A_18 = arith.constant 0 : index
    %swap3A_19 = vector.load %arg5[%swap3A, %swap3A_17, %swap3A_18] : memref<1x1x512xf32, #tpu.memory_space<vmem>>, vector<1x1x512xf32>
    tpu.vector_store %arg5[%swap3A, %swap3A_17, %swap3A_18], %add3A_16 {strides = array<i32>} : memref<1x1x512xf32, #tpu.memory_space<vmem>>, vector<1x1x512xf32>,
    %get3A_20 = arith.constant 0 : index
    %get3A_21 = arith.constant 0 : index
    %get3A_22 = vector.load %arg2[%get3A_20, %get3A_21] : memref<512x128xf32, #tpu.memory_space<vmem>>, vector<512x128xf32>
    %gt3A_23 = arith.constant 0.000000e+00 : f32
    %gt3A_24 = vector.broadcast %gt3A_23 : f32 to vector<512x128xf32>
    %gt3A_25 = arith.cmpf ogt, %get3A_22, %gt3A_24 : vector<512x128xf32>
    %mul3A_26 = arith.constant 2.500000e-01 : f32
    %mul3A_27 = vector.broadcast %mul3A_26 : f32 to vector<512x128xf32>
    %mul3A_28 = arith.mulf %mul3A_27, %get3A_22 : vector<512x128xf32>
    %select_n3A_29 = arith.select %gt3A_25, %get3A_22, %mul3A_28 : vector<512x128xi1>, vector<512x128xf32>
    %mul3A_30 = vector.broadcast %get3A_1 : vector<1x128xf32> to vector<512x128xf32>
    %mul3A_31 = arith.mulf %select_n3A_29, %mul3A_30 : vector<512x128xf32>
    %reduce_sum3A_32 = arith.constant dense<0.000000e+00> : vector<512xf32>
    %reduce_sum3A_33 = vector.multi_reduction <add>, %mul3A_31, %reduce_sum3A_32 [1] : vector<512x128xf32> to vector<512xf32>
    %reshape3A_34 = vector.shape_cast %reduce_sum3A_33 : vector<512xf32> to vector<1x1x512xf32>
    %add3A_35 = vector.broadcast %get3A_5 : f32 to vector<1x1x512xf32>
    %add3A_36 = arith.addf %reshape3A_34, %add3A_35 : vector<1x1x512xf32>
    %swap3A_37 = arith.constant 0 : index
    %swap3A_38 = arith.constant 0 : index
    %swap3A_39 = arith.constant 0 : index
    %swap3A_40 = vector.load %arg6[%swap3A_37, %swap3A_38, %swap3A_39] : memref<1x1x512xf32, #tpu.memory_space<vmem>>, vector<1x1x512xf32>
    tpu.vector_store %arg6[%swap3A_37, %swap3A_38, %swap3A_39], %add3A_36 {strides = array<i32>} : memref<1x1x512xf32, #tpu.memory_space<vmem>>, vector<1x1x512xf32>,
    return
  }
  func.func @transform_0(%arg0: i32) -> (i32, i32) {
    %c0_i32 = arith.constant 0 : i32
    %c0_i32_0 = arith.constant 0 : i32
    return %arg0, %c0_i32 : i32, i32
  }
  func.func @transform_1(%arg0: i32) -> (i32, i32) {
    %c0_i32 = arith.constant 0 : i32
    %c0_i32_0 = arith.constant 0 : i32
    return %arg0, %c0_i32 : i32, i32
  }
  func.func @transform_2(%arg0: i32) -> (i32, i32) {
    %c0_i32 = arith.constant 0 : i32
    %c0_i32_0 = arith.constant 0 : i32
    %c0_i32_1 = arith.constant 0 : i32
    return %c0_i32, %c0_i32_0 : i32, i32
  }
  func.func @transform_3(%arg0: i32) -> (i32, i32) {
    %c0_i32 = arith.constant 0 : i32
    %c0_i32_0 = arith.constant 0 : i32
    %c0_i32_1 = arith.constant 0 : i32
    return %c0_i32, %c0_i32_0 : i32, i32
  }
  func.func @transform_4(%arg0: i32) -> (i32, i32, i32) {
    %c0_i32 = arith.constant 0 : i32
    %c0_i32_0 = arith.constant 0 : i32
    %c0_i32_1 = arith.constant 0 : i32
    return %arg0, %c0_i32, %c0_i32_0 : i32, i32, i32
  }
  func.func @transform_5(%arg0: i32) -> (i32, i32, i32) {
    %c0_i32 = arith.constant 0 : i32
    %c0_i32_0 = arith.constant 0 : i32
    %c0_i32_1 = arith.constant 0 : i32
    return %arg0, %c0_i32, %c0_i32_0 : i32, i32, i32
  }
}

</mosaic_0001>

<sc_bundles>
// kernel: kernel.6.cloned.1.call-start
scs
__scs_entry_jumppad:
0x0: {  	(pc) =	sbr.rel $0x88, $3  }
0x1: {  	(tag) =	ssettag $0x0;
	lr =	simm.s32 $0x1  }
0x2: {  	[smem:$0x3F9A] =	sst lr;
	_ =	strace $0xD0000000  }
0x3: {  	_ = 	snop  }
0x4: {  	_ = 	snop  }
0x5: {  	_ = 	snop  }
0x6: {  	_ = 	snop  }
0x7: {  	_ = 	snop  }
__scs_overlays_trampoline_lowered:
0x8: {  	[smem:$0x3FA9] =	sst s0  }
0x9: {  	[smem:$0x3FAA] =	sst s1  }
0xa: {  	[smem:$0x3FAB] =	sst s2  }
0xb: {  	[smem:$0x3FAC] =	sst s3  }
0xc: {  	[smem:$0x3FAD] =	sst s4  }
0xd: {  	[smem:$0x3FAE] =	sst s5  }
0xe: {  	[smem:$0x3FAF] =	sst s6  }
0xf: {  	[smem:$0x3FB0] =	sst s7  }
0x10: {  	[smem:$0x3FB1] =	sst s8  }
0x11: {  	[smem:$0x3FB2] =	sst s9;
	s0 =	simm.s32 @!p0 $0x0  }
0x12: {  	s1 =	sld [smem:$0x3F98];
	s0 =	simm.s32 @p0 $0x1  }
0x13: {  	[smem:$0x3FB3] =	sst s0;
	s0 =	simm.s32 @!p1 $0x0  }
0x14: {  	s2 =	sld [smem:$0x3F97];
	s0 =	simm.s32 @p1 $0x1  }
0x15: {  	[smem:$0x3FB4] =	sst s0;
	s0 =	simm.s32 @!p2 $0x0  }
0x16: {  	s3 =	sld [smem:$0x3FDB];
	s0 =	simm.s32 @p2 $0x1  }
0x17: {  	s4 =	simm.s32 $0x1BF5;
	[smem:$0x3FB6] =	sst s0  }
0x18: {  	s0 =	sld [smem:$0x3F99];
	_ =	swait.ge [sflag:s4], $0x0  }
0x19: {  	s7 =	sld [smem:$0x3F9A]  }
0x1a: {  	s8 =	sadd.s32 $0xFFFFE003, lr  }
0x1b: {  	s9 =	sadd.s32 $0xFFFFFEF7, lr;
	s5 =	simm.s32 $0xFFFFFFFF;
	p2 =	slt.u32 s8, $0xFFFFF086  }
0x1c: {  	p1 =	slt.u32 s9, $0xF7A;
	s5 =	simm.s32 @!p2 $0x0  }
0x1d: {  	s5 =	simm.s32 @p1 $0x1;
	p0 =	seq.s32 s7, s2  }
0x1e: {  	s7 =	smul.u32 @!p0 $0xF7A, s2;
	p2 =	seq.s32 @!p0 s5, $0x0  }
0x1f: {  	s9 =	smul.u32 $0xF7A, s1;
	s8 =	simm.s32 @!p0 $0x1BF5;
	p2 =	por !p2, p0  }
0x20: {  	[sflag:s8] =	ssyncset.s32 @!p0 $0xFFFFF086;
	s6 =	sadd.s32 @!p0 s3, s7;
	s7 =	simm.s32 @!p0 $0x108  }
0x21: {  	s3 =	sadd.s32 s3, s9;
	s6 =	sadd.s32 @!p0 $0x88, s6;
	s7 =	simm.s32 @p2 $0x1082  }
0x22: {  	[simem:s7], [sflag:s8] =	dma.local @!p0 [hbm:s6], $0xF7A  }
0x23: {  	s9 =	sor.u32 $0xD0000000, s2;
	s6 =	simm.s32 $0x108;
	_ =	swait.ge @!p0 [sflag:s8], $0x0  }
0x24: {  	s3 =	sadd.s32 $0x88, s3;
	s6 =	simm.s32 @!p1 $0x1082;
	[sflag:s4] =	ssyncset.s32 $0xFFFFF086  }
0x25: {  	[simem:s6], [sflag:s4] =	dma.local [hbm:s3], $0xF7A  }
0x26: {  	[smem:$0x3F9A] =	sst s1;
	(tag) =	ssettag s2;
	_ =	strace s9  }
0x27: {  	s1 =	sld [smem:$0x3FAA]  }
0x28: {  	s2 =	sld [smem:$0x3FAB]  }
0x29: {  	s4 =	sld [smem:$0x3FAD]  }
0x2a: {  	p0 =	seq.s32 s5, $0x0;
	s5 =	sld [smem:$0x3FAE]  }
0x2b: {  	s6 =	sld [smem:$0x3FAF]  }
0x2c: {  	s7 =	sld [smem:$0x3FB0]  }
0x2d: {  	s3 =	simm.s32 $0x108;
	s8 =	sld [smem:$0x3FB1]  }
0x2e: {  	s3 =	simm.s32 @!p0 $0x1082;
	s9 =	sld [smem:$0x3FB2]  }
0x2f: {  	lr =	sadd.s32 s0, s3;
	s0 =	sld [smem:$0x3FA9]  }
0x30: {  	s3 =	sld [smem:$0x3FAC]  }
0x31: {  	[smem:$0x3FB5] =	sst s10  }
0x32: {  	s10 =	sld [smem:$0x3FB3];
	_ =	sdelay $0x3  }
0x33: {  	p0 =	seq.s32 s10, $0x1;
	s10 =	sld [smem:$0x3FB5];
	_ =	sdelay $0x3  }
0x34: {  	[smem:$0x3FB5] =	sst s10  }
0x35: {  	s10 =	sld [smem:$0x3FB4];
	_ =	sdelay $0x3  }
0x36: {  	p1 =	seq.s32 s10, $0x1;
	s10 =	sld [smem:$0x3FB5];
	_ =	sdelay $0x3  }
0x37: {  	[smem:$0x3FB5] =	sst s10  }
0x38: {  	s10 =	sld [smem:$0x3FB6]  }
0x39: {  	_ = 	snop;
	(pc) =	sbr.ind lr, $3  }
0x3a: {  	_ = 	snop  }
0x3b: {  	_ = 	snop  }
0x3c: {  	p2 =	seq.s32 s10, $0x1;
	s10 =	sld [smem:$0x3FB5]  }
0x3d: {  	_ =	shalt  }
0x3e: {  	_ =	shalt  }
0x3f: {  	_ =	shalt  }
0x40: {  	_ =	shalt  }
0x41: {  	_ =	shalt  }
0x42: {  	_ =	shalt  }
0x43: {  	_ =	shalt  }
0x44: {  	_ =	shalt  }
0x45: {  	_ =	shalt  }
0x46: {  	_ =	shalt  }
0x47: {  	_ =	shalt  }
0x48: {  	_ =	shalt  }
0x49: {  	_ =	shalt  }
0x4a: {  	_ =	shalt  }
0x4b: {  	_ =	shalt  }
0x4c: {  	_ =	shalt  }
0x4d: {  	_ =	shalt  }
0x4e: {  	_ =	shalt  }
0x4f: {  	_ =	shalt  }
0x50: {  	_ =	shalt  }
0x51: {  	_ =	shalt  }
0x52: {  	_ =	shalt  }
0x53: {  	_ =	shalt  }
0x54: {  	_ =	shalt  }
0x55: {  	_ =	shalt  }
0x56: {  	_ =	shalt  }
0x57: {  	_ =	shalt  }
0x58: {  	_ =	shalt  }
0x59: {  	_ =	shalt  }
0x5a: {  	_ =	shalt  }
0x5b: {  	_ =	shalt  }
0x5c: {  	_ =	shalt  }
0x5d: {  	_ =	shalt  }
0x5e: {  	_ =	shalt  }
0x5f: {  	_ =	shalt  }
0x60: {  	_ =	shalt  }
0x61: {  	_ =	shalt  }
0x62: {  	_ =	shalt  }
0x63: {  	_ =	shalt  }
0x64: {  	_ =	shalt  }
0x65: {  	_ =	shalt  }
0x66: {  	_ =	shalt  }
0x67: {  	_ =	shalt  }
0x68: {  	_ =	shalt  }
0x69: {  	_ =	shalt  }
0x6a: {  	_ =	shalt  }
0x6b: {  	_ =	shalt  }
0x6c: {  	_ =	shalt  }
0x6d: {  	_ =	shalt  }
0x6e: {  	_ =	shalt  }
0x6f: {  	_ =	shalt  }
0x70: {  	_ =	shalt  }
0x71: {  	_ =	shalt  }
0x72: {  	_ =	shalt  }
0x73: {  	_ =	shalt  }
0x74: {  	_ =	shalt  }
0x75: {  	_ =	shalt  }
0x76: {  	_ =	shalt  }
0x77: {  	_ =	shalt  }
0x78: {  	_ =	shalt  }
0x79: {  	_ =	shalt  }
0x7a: {  	_ =	shalt  }
0x7b: {  	_ =	shalt  }
0x7c: {  	_ =	shalt  }
0x7d: {  	_ =	shalt  }
0x7e: {  	_ =	shalt  }
0x7f: {  	_ =	shalt  }
0x80: {  	_ =	shalt  }
0x81: {  	_ =	shalt  }
0x82: {  	_ =	shalt  }
0x83: {  	_ =	shalt  }
0x84: {  	_ =	shalt  }
0x85: {  	_ =	shalt  }
0x86: {  	_ =	shalt  }
0x87: {  	_ =	shalt  }
.Lfunc_end0:
.L_simem_size_0:
called_computation_lowered:
.L_overlay_start_0:
0x88: {  	s2 =	sld [smem:$0x3FD9]  }
0x89: {  	s3 =	sld [smem:$0x3FFE];
	_ =	sdelay $0x1  }
0x8a: {  	s1 =	srdreg.scid  }
0x8b: {  	s0 =	sand.u32 $0x1, s1  }
0x8c: {  	s16 =	sshll.u32 s0, $0xA;
	s2 =	sadd.s32 s3, s2  }
0x8d: {  	s2 =	sadd.s32 s2, s16  }
0x8e: {  	[smem:$0x3FC1] =	sst s2  }
0x8f: {  	_ = 	snop  }
0x90: {  	(tm) =	ssettm $0x1  }
0x91: {  	s17 =	sld [smem:$0x3FFB];
	_ =	sdelay $0x3  }
0x92: {  	_ =	strace s17  }
0x93: {  	s2 =	sld [smem:$0x3FFC];
	_ =	sdelay $0x3  }
0x94: {  	_ =	strace s2  }
0x95: {  	s2 =	sld [smem:$0x3FFD];
	_ =	sdelay $0x3  }
0x96: {  	_ =	strace s2  }
0x97: {  	_ =	strace $0x8FFFFFFF  }
0x98: {  	s18 =	sld [smem:$0x3FDB];
	_ =	sdelay $0x1  }
0x99: {  	s19 =	simm.s32 $_scs_section_size  }
0x9a: {  	s4 =	simm.s32 $_size__tile_overlayer_lowered;
	s5 =	simm.s32 $_tile_overlayer_lowered  }
0x9b: {  	s22 =	simm.s32 $0x1BFF;
	s21 =	sshll.u32 s5, $0x1;
	s2 =	sadd.s32 s19, s18  }
0x9c: {  	s6 =	simm.s32 $0x0;
	s20 =	sshll.u32 s4, $0x1;
	s4 =	sadd.s32 s21, s2  }
0x9d: {  	[timem:s6], [sflag:s22] =	dma.local [hbm:s4], s20  }
0x9e: {  	_ =	swait.ge [sflag:s22], s20  }
0x9f: {  	s3 =	ssub.s32 $0x0, s20;
	[sflag:s22] =	ssyncset.done $0x0  }
0xa0: {  	[sflag:s22] =	ssyncadd.s32 s3;
	_ =	sdelay $0x1  }
0xa1: {  	s23 =	simm.s32 $0x1B8B  }
0xa2: {  	_ =	swait.ge [sflag:s23], $0x1  }
0xa3: {  	[sflag:s23] =	ssyncset.done $0x0  }
0xa4: {  	s25 =	simm.s32 $0x1B8E;
	s24 =	sld [smem:$0x3FFE];
	[sflag:s23] =	ssyncadd.s32 $0xFFFFFFFF  }
0xa5: {  	s26 =	simm.s32 $execute0_lowered;
	[smem:$0x3FD2] =	sst s25  }
0xa6: {  	s4 =	sshll.u32 s26, $0x1;
	_ =	strace $0x80000046;
	[dreg:$0x1] =	wrdreg $0xFFFFFFFF  }
0xa7: {  	s28 =	simm.s32 $_size_execute0_lowered;
	s2 =	sadd.s32 s2, s4;
	[dreg:$0x0] =	wrdreg $0x0  }
0xa8: {  	s4 =	sshll.u32 s28, $0x1;
	[dreg:$0x2] =	wrdreg s2  }
0xa9: {  	[dreg:$0x3] =	wrdreg s4  }
0xaa: {  	[dreg:$0x4] =	wrdreg $0xC0  }
0xab: {  	_ =	task [dreg:s6], $0x5FFFF  }
0xac: {  	[dreg:$0x1] =	wrdreg $0xFFFFFFFF  }
0xad: {  	[dreg:$0x0] =	wrdreg $0x60  }
0xae: {  	[dreg:$0x2] =	wrdreg s24  }
0xaf: {  	[dreg:$0x3] =	wrdreg $0xA0000  }
0xb0: {  	[dreg:$0x4] =	wrdreg $0x9  }
0xb1: {  	_ =	task.clear_ibuf [dreg:s6], $0x5FFFF;
	_ =	strace $0x90000046  }
0xb2: {  	s29 =	simm.s32 $0x9;
	_ =	strace $0x80000048  }
0xb3: {  	_ =	swait.ge [sflag:s29], $0x1  }
0xb4: {  	[sflag:s29] =	ssyncadd.s32 $0xFFFFFFFF  }
0xb5: {  	_ =	strace $0x90000048  }
0xb6: {  	_ =	sfence  }
0xb7: {  	s30 =	sld [smem:$0x0];
	_ =	sdelay $0x2  }
0xb8: {  	s31 =	sshll.u32 s1, $0xD;
	s1 =	sshrl.u32 s1, $0x2  }
0xb9: {  	s3 =	sand.u32 $0x4000, s31;
	s1 =	sadd.s32 s1, s30  }
0xba: {  	s0 =	sor.u32 s3, s0;
	s1 =	sshll.u32 s1, $0x11  }
0xbb: {  	s0 =	sor.u32 s1, s0  }
0xbc: {  	s0 =	sadd.s32 $0x8F2B, s0  }
0xbd: {  	[sflag:s0] =	ssyncadd.remote.s32 $0x1  }
0xbe: {  	_ =	sfence.sel $0xFFFF  }
0xbf: {  	[dreg:$0x0] =	wrdreg $0xFFFFFFFF;
	(pc) =	sbr.abs _section_cstart, $3  }
0xc0: {  	[dreg:$0x1] =	wrdreg $0xFFFFFFFF  }
0xc1: {  	_ =	task.clear_ibuf [dreg:s6], $0x2FFFF;
	_ =	strace $0x9FFFFFFF  }
0xc2: {  	(tm) =	ssettm $0x7FFFFFFF  }
0xc3: {  	_ =	shalt  }
tec
execute0_lowered:
.L_overlay_start_1:
0x0: {  	(tag) =	ssettag $0x1  }
0x1: {  	s0 =	rddreg [dreg:$0x0]  }
0x2: {  	s1 =	rddreg [dreg:$0x1];
	s2 =	simm.s32 $0x0;
	s3 =	srdreg.scid  }
0x3: {  	s17 =	stileid.u32;
	s28 =	simm.s32 $0x6000;
	s29 =	simm.s32 $0x2  }
0x4: {  	s30 =	simm.s32 $0xF80;
	s31 =	simm.s32 $0x1F00;
	[smem:$0x7FF] =	sst s2  }
0x5: {  	s4 =	sadd.s32 $0x15600, s0;
	s5 =	sadd.s32 $0x3C800, s0;
	s6 =	sadd.s32 $0x1600, s0  }
0x6: {  	s7 =	sadd.s32 $0xB600, s0;
	s3 =	sand.u32 $0x1, s3;
	s8 =	smul.u32 $0x280, s17  }
0x7: {  	s9 =	sadd.s32 $0x63A00, s0;
	s10 =	smul.u32 $0x50000, s17;
	s0 =	sadd.s32 $0x8BA00, s0  }
0x8: {  	s15 =	smul.u32 $0x5000, s17;
	_ =	strace $0x80000047;
	[dreg:$0x3] =	wrdreg s9  }
0x9: {  	s24 =	smul.u32 $0x2800, s17;
	s20 =	ssub.s32 $0x2, s3;
	[dreg:$0x4] =	wrdreg s0  }
0xa: {  	p0 =	seq.s32 s3, $0x1;
	s3 =	simm.s32 $0x0;
	s21 =	sshrl.u32 s20, $0x1  }
0xb: {  	s16 =	sadd.s32 $0x80, s8;
	s22 =	sshrl.u32 s10, $0x2;
	s23 =	sadd.s32 $0x100, s8  }
0xc: {  	s19 =	sadd.s32 $0x180, s8;
	s8 =	sadd.s32 $0x200, s8;
	[dreg:$0x5] =	wrdreg s24  }
0xd: {  	s24 =	simm.s32 $0x1000;
	s0 =	ssub.s32 s20, s21;
	s11 =	sshll.u32 s16, $0x7  }
0xe: {  	s10 =	sadd.s32 s22, s1;
	s12 =	sshll.u32 s23, $0x7;
	s13 =	sshll.u32 s19, $0x7  }
0xf: {  	s14 =	sshll.u32 s8, $0x7;
	s25 =	sshll.u32 s16, $0x4;
	s26 =	sshll.u32 s23, $0x4  }
.Ltmp0:
0x10: {  	s19 =	sshll.u32 s19, $0x4;
	s20 =	sshll.u32 s8, $0x4;
	(pc) =	sbr.rel .LBB2_1-.Ltmp0, $4  }
0x11: {  	s22 =	simm.s32 $0x2000;
	s23 =	simm.s32 $0x3;
	s11 =	sadd.s32 s11, s1  }
0x12: {  	s12 =	sadd.s32 s12, s1;
	s13 =	sadd.s32 s13, s1;
	[dreg:$0x6] =	wrdreg s25  }
0x13: {  	s14 =	sadd.s32 s14, s1;
	[dreg:$0x7] =	wrdreg s26;
	s21 =	smax.u32 s0, $0x1  }
0x14: {  	v0 =	vimm.f32 $0.0e+00;
	s25 =	simm.s32 $0x80;
	s26 =	simm.s32 $0x1;
	s0 =	simm.s32 $0x1F80  }
.LBB2_12:
0x15: {  	[bflag:$0x0] =	sbarrier.arrive $0xFFFF  }
0x16: {  	[tilespmem:s22], [sflag:$0x3] =	stream.linear.gather [spmem:s10], $0x4000, $0x38;
	[tilespmem:$0x1E000] =	vst v63  }
0x17: {  	_ =	swait.ge [sflag:s23], $0x4000  }
0x18: {  	[sflag:s23] =	ssyncset.done $0x0;
	s9 =	rddreg [dreg:$0x5]  }
0x19: {  	s9 =	sadd.s32 s8, s9;
	[sflag:s23] =	ssyncadd.s32 $0xFFFFC000  }
0x1a: {  	[hbm4b:s9+s2] =	stream.linear.scatter [tilespmem:s22], [sflag:$0x3], $0x4000, $0x38;
	[tilespmem:$0x1E000] =	vst v63  }
0x1b: {  	_ =	swait.ge [sflag:s23], $0x4000  }
0x1c: {  	[sflag:s23] =	ssyncset.done $0x0  }
0x1d: {  	[sflag:s23] =	ssyncadd.s32 $0xFFFFC000  }
0x1e: {  	[tilespmem:s22], [sflag:$0x3] =	stream.linear.gather [spmem:s11], $0x4000, $0x38;
	[tilespmem:$0x1E000] =	vst v63  }
0x1f: {  	_ =	swait.ge [sflag:s23], $0x4000  }
0x20: {  	[sflag:s23] =	ssyncset.done $0x0;
	s18 =	rddreg [dreg:$0x6]  }
0x21: {  	s9 =	sadd.s32 s8, s18;
	[sflag:s23] =	ssyncadd.s32 $0xFFFFC000  }
0x22: {  	[hbm4b:s9+s2] =	stream.linear.scatter [tilespmem:s22], [sflag:$0x3], $0x4000, $0x38;
	[tilespmem:$0x1E000] =	vst v63  }
0x23: {  	_ =	swait.ge [sflag:s23], $0x4000  }
0x24: {  	[sflag:s23] =	ssyncset.done $0x0  }
0x25: {  	[sflag:s23] =	ssyncadd.s32 $0xFFFFC000  }
0x26: {  	[tilespmem:s22], [sflag:$0x3] =	stream.linear.gather [spmem:s12], $0x4000, $0x38;
	[tilespmem:$0x1E000] =	vst v63  }
0x27: {  	_ =	swait.ge [sflag:s23], $0x4000  }
0x28: {  	[sflag:s23] =	ssyncset.done $0x0;
	s16 =	rddreg [dreg:$0x7]  }
0x29: {  	s9 =	sadd.s32 s8, s16;
	[sflag:s23] =	ssyncadd.s32 $0xFFFFC000  }
0x2a: {  	[hbm4b:s9+s2] =	stream.linear.scatter [tilespmem:s22], [sflag:$0x3], $0x4000, $0x38;
	[tilespmem:$0x1E000] =	vst v63  }
0x2b: {  	_ =	swait.ge [sflag:s23], $0x4000  }
0x2c: {  	[sflag:s23] =	ssyncset.done $0x0  }
0x2d: {  	[sflag:s23] =	ssyncadd.s32 $0xFFFFC000  }
0x2e: {  	[tilespmem:s22], [sflag:$0x3] =	stream.linear.gather [spmem:s13], $0x4000, $0x38;
	[tilespmem:$0x1E000] =	vst v63  }
0x2f: {  	_ =	swait.ge [sflag:s23], $0x4000  }
0x30: {  	[sflag:s23] =	ssyncset.done $0x0  }
0x31: {  	s17 =	sadd.s32 s8, s19;
	[sflag:s23] =	ssyncadd.s32 $0xFFFFC000  }
0x32: {  	[hbm4b:s17+s2] =	stream.linear.scatter [tilespmem:s22], [sflag:$0x3], $0x4000, $0x38;
	[tilespmem:$0x1E000] =	vst v63  }
0x33: {  	_ =	swait.ge [sflag:s23], $0x4000  }
0x34: {  	[sflag:s23] =	ssyncset.done $0x0  }
0x35: {  	[sflag:s23] =	ssyncadd.s32 $0xFFFFC000  }
0x36: {  	[tilespmem:s22], [sflag:$0x3] =	stream.linear.gather [spmem:s14], $0x4000, $0x38;
	[tilespmem:$0x1E000] =	vst v63  }
0x37: {  	s3 =	sadd.s32 $0x1, s3;
	_ =	swait.ge [sflag:s23], $0x4000  }
0x38: {  	p1 =	sne.s32 s3, s21;
	[sflag:s23] =	ssyncset.done $0x0  }
.Ltmp1:
0x39: {  	s18 =	sadd.s32 s8, s20;
	[sflag:s23] =	ssyncadd.s32 $0xFFFFC000;
	(pc) =	sbr.rel @!p1 .LBB2_13-.Ltmp1, $4  }
0x3a: {  	[hbm4b:s18+s2] =	stream.linear.scatter [tilespmem:s22], [sflag:$0x3], $0x4000, $0x38;
	[tilespmem:$0x1E000] =	vst v63  }
0x3b: {  	_ =	swait.ge [sflag:s23], $0x4000  }
0x3c: {  	[sflag:s23] =	ssyncset.done $0x0  }
0x3d: {  	[sflag:s23] =	ssyncadd.s32 $0xFFFFC000  }
.LBB2_1:
0x3e: {  	s8 =	simm.s32 $0x0;
	s9 =	simm.s32 $0x200  }
.LBB2_2:
0x3f: {  	p1 =	sne.s32 s9, $0xFE00;
	[tilespmem:s8+$0x2070] =	vst v0  }
0x40: {  	[tilespmem:s8+$0x2000] =	vst v0  }
0x41: {  	[tilespmem:s8+$0x2010] =	vst v0  }
.Ltmp2:
0x42: {  	[tilespmem:s8+$0x2020] =	vst v0;
	(pc) =	sbr.rel @p1 .LBB2_2-.Ltmp2, $4  }
0x43: {  	[tilespmem:s8+$0x2030] =	vst v0  }
0x44: {  	[tilespmem:s8+$0x2040] =	vst v0  }
0x45: {  	[tilespmem:s8+$0x2050] =	vst v0  }
0x46: {  	[tilespmem:s8+$0x2060] =	vst v0;
	s8 =	sshra.s32 s9, $0x2;
	s9 =	sadd.s32 $0x200, s9  }
0x47: {  	[tilespmem:s8+$0x2070] =	vst v0  }
0x48: {  	[tilespmem:s8+$0x2000] =	vst v0  }
0x49: {  	[tilespmem:s8+$0x2010] =	vst v0  }
0x4a: {  	[tilespmem:s8+$0x2020] =	vst v0  }
0x4b: {  	[tilespmem:s8+$0x2030] =	vst v0  }
0x4c: {  	[tilespmem:s8+$0x2040] =	vst v0  }
0x4d: {  	[tilespmem:s8+$0x2050] =	vst v0  }
0x4e: {  	[tilespmem:s8+$0x2060] =	vst v0  }
0x4f: {  	[spmem:s10] =	stream.linear.scatter [tilespmem:s22], [sflag:$0x3], $0x4000, $0x38;
	[tilespmem:$0x1E000] =	vst v63  }
0x50: {  	_ =	swait.ge [sflag:s23], $0x4000  }
0x51: {  	[sflag:s23] =	ssyncset.done $0x0  }
0x52: {  	[sflag:s23] =	ssyncadd.s32 $0xFFFFC000  }
0x53: {  	[spmem:s11] =	stream.linear.scatter [tilespmem:s22], [sflag:$0x3], $0x4000, $0x38;
	[tilespmem:$0x1E000] =	vst v63  }
0x54: {  	_ =	swait.ge [sflag:s23], $0x4000  }
0x55: {  	[sflag:s23] =	ssyncset.done $0x0  }
0x56: {  	[sflag:s23] =	ssyncadd.s32 $0xFFFFC000  }
0x57: {  	[spmem:s12] =	stream.linear.scatter [tilespmem:s22], [sflag:$0x3], $0x4000, $0x38;
	[tilespmem:$0x1E000] =	vst v63  }
0x58: {  	_ =	swait.ge [sflag:s23], $0x4000  }
0x59: {  	[sflag:s23] =	ssyncset.done $0x0  }
0x5a: {  	[sflag:s23] =	ssyncadd.s32 $0xFFFFC000  }
0x5b: {  	[spmem:s13] =	stream.linear.scatter [tilespmem:s22], [sflag:$0x3], $0x4000, $0x38;
	[tilespmem:$0x1E000] =	vst v63  }
0x5c: {  	_ =	swait.ge [sflag:s23], $0x4000  }
0x5d: {  	[sflag:s23] =	ssyncset.done $0x0  }
0x5e: {  	[sflag:s23] =	ssyncadd.s32 $0xFFFFC000  }
0x5f: {  	[spmem:s14] =	stream.linear.scatter [tilespmem:s22], [sflag:$0x3], $0x4000, $0x38;
	[tilespmem:$0x1E000] =	vst v63  }
.Ltmp3:
0x60: {  	_ =	swait.ge [sflag:s23], $0x4000;
	(pc) =	sbr.rel @!p0 .LBB2_4-.Ltmp3, $4  }
0x61: {  	[sflag:s23] =	ssyncset.done $0x0  }
0x62: {  	[sflag:s23] =	ssyncadd.s32 $0xFFFFC000  }
0x63: {  	[bflag:$0x0] =	sbarrier.arrive $0xFFFF  }
0x64: {  	s8 =	simm.s32 $0x0;
	s9 =	simm.s32 $0x0;
	s16 =	simm.s32 $0x0  }
.LBB2_8:
0x65: {  	s9 =	sshll.u32 s16, $0xC  }
0x66: {  	s9 =	sadd.s32 s15, s9  }
0x67: {  	s9 =	sshrl.u32 s9, $0x3  }
0x68: {  	s17 =	sadd.s32 s6, s9  }
0x69: {  	[tilespmem:s8], [sflag:$0x3] =	stream.linear.gather [hbm4b:s17+s8], $0x1000, $0x38;
	[tilespmem:$0x1E000] =	vst v63  }
0x6a: {  	_ =	swait.ge [sflag:s23], $0x1000  }
0x6b: {  	[sflag:s23] =	ssyncset.done $0x0  }
0x6c: {  	s9 =	sadd.s32 s7, s9;
	[sflag:s23] =	ssyncadd.s32 $0xFFFFF000  }
0x6d: {  	[tilespmem:s24], [sflag:$0x3] =	stream.linear.gather [hbm4b:s9+s8], $0x1000, $0x38;
	[tilespmem:$0x1E000] =	vst v63  }
0x6e: {  	_ =	swait.ge [sflag:s23], $0x1000  }
0x6f: {  	[sflag:s23] =	ssyncset.done $0x0  }
0x70: {  	[sflag:s23] =	ssyncadd.s32 $0xFFFFF000  }
0x71: {  	[tilespmem:s22], [sflag:$0x1] =	stream.indirect.gather [hbm4b:s5+s25], $0x80, s8, s25, $0xb8;
	[tilespmem:$0x1E000] =	vst v63  }
0x72: {  	_ =	swait.ge [sflag:s26], $0x4000  }
0x73: {  	[sflag:s26] =	ssyncset.done $0x0  }
0x74: {  	s17 =	simm.s32 $0x80;
	[sflag:s26] =	ssyncadd.s32 $0xFFFFC000  }
0x75: {  	[tilespmem:s28], [sflag:$0x2] =	stream.indirect.gather [hbm4b:s5+s25], $0x80, s17, s25, $0xb8;
	[tilespmem:$0x1E000] =	vst v63  }
0x76: {  	s18 =	simm.s32 $0x1000  }
0x77: {  	[spmem:s1] =	stream.indirect.scatter.add.f32 [tilespmem:s22], [sflag:$0x3], $0x80, s18, s25, $0xb8;
	[tilespmem:$0x1E000] =	vst v63  }
0x78: {  	_ =	swait.ge [sflag:s23], $0x4000  }
0x79: {  	[sflag:s23] =	ssyncset.done $0x0  }
0x7a: {  	[sflag:s23] =	ssyncadd.s32 $0xFFFFC000  }
0x7b: {  	_ =	swait.ge [sflag:s29], $0x4000  }
0x7c: {  	[sflag:s29] =	ssyncset.done $0x0  }
0x7d: {  	s17 =	simm.s32 $0x100;
	[sflag:s29] =	ssyncadd.s32 $0xFFFFC000  }
0x7e: {  	[tilespmem:s22], [sflag:$0x1] =	stream.indirect.gather [hbm4b:s5+s25], $0x80, s17, s25, $0xb8;
	[tilespmem:$0x1E000] =	vst v63  }
0x7f: {  	s18 =	simm.s32 $0x1080  }
0x80: {  	[spmem:s1] =	stream.indirect.scatter.add.f32 [tilespmem:s28], [sflag:$0x3], $0x80, s18, s25, $0xb8;
	[tilespmem:$0x1E000] =	vst v63  }
0x81: {  	_ =	swait.ge [sflag:s23], $0x4000  }
0x82: {  	s9 =	simm.s32 $0x400;
	[sflag:s23] =	ssyncset.done $0x0  }
.LBB2_9:
0x83: {  	p1 =	sne.s32 s9, $0x3800  }
0x84: {  	[sflag:s23] =	ssyncadd.s32 $0xFFFFC000;
	s17 =	smov.u32 s9;
	s9 =	sadd.s32 $0x400, s9  }
0x85: {  	_ = 	snop  }
0x86: {  	_ =	swait.ge [sflag:s26], $0x4000  }
0x87: {  	s17 =	sshra.s32 s17, $0x2;
	[sflag:s26] =	ssyncset.done $0x0  }
0x88: {  	s18 =	sadd.s32 $0x80, s17;
	[sflag:s26] =	ssyncadd.s32 $0xFFFFC000  }
0x89: {  	[tilespmem:s28], [sflag:$0x2] =	stream.indirect.gather [hbm4b:s5+s25], $0x80, s18, s25, $0xb8;
	[tilespmem:$0x1E000] =	vst v63  }
0x8a: {  	s18 =	sadd.s32 $0x1000, s17  }
0x8b: {  	[spmem:s1] =	stream.indirect.scatter.add.f32 [tilespmem:s22], [sflag:$0x3], $0x80, s18, s25, $0xb8;
	[tilespmem:$0x1E000] =	vst v63  }
0x8c: {  	_ =	swait.ge [sflag:s23], $0x4000  }
0x8d: {  	[sflag:s23] =	ssyncset.done $0x0  }
0x8e: {  	[sflag:s23] =	ssyncadd.s32 $0xFFFFC000  }
0x8f: {  	_ =	swait.ge [sflag:s29], $0x4000  }
0x90: {  	[sflag:s29] =	ssyncset.done $0x0  }
0x91: {  	s18 =	sadd.s32 $0x100, s17;
	[sflag:s29] =	ssyncadd.s32 $0xFFFFC000  }
0x92: {  	[tilespmem:s22], [sflag:$0x1] =	stream.indirect.gather [hbm4b:s5+s25], $0x80, s18, s25, $0xb8;
	[tilespmem:$0x1E000] =	vst v63  }
.Ltmp4:
0x93: {  	_ = 	snop;
	(pc) =	sbr.rel @p1 .LBB2_9-.Ltmp4, $4  }
0x94: {  	s17 =	sadd.s32 $0x1080, s17  }
0x95: {  	[spmem:s1] =	stream.indirect.scatter.add.f32 [tilespmem:s28], [sflag:$0x3], $0x80, s17, s25, $0xb8;
	[tilespmem:$0x1E000] =	vst v63  }
0x96: {  	_ =	swait.ge [sflag:s23], $0x4000  }
0x97: {  	[sflag:s23] =	ssyncset.done $0x0  }
0x98: {  	[sflag:s23] =	ssyncadd.s32 $0xFFFFC000  }
0x99: {  	_ =	swait.ge [sflag:s26], $0x4000  }
0x9a: {  	[sflag:s26] =	ssyncset.done $0x0  }
0x9b: {  	[sflag:s26] =	ssyncadd.s32 $0xFFFFC000  }
0x9c: {  	[tilespmem:s28], [sflag:$0x2] =	stream.indirect.gather [hbm4b:s5+s25], $0x80, s30, s25, $0xb8;
	[tilespmem:$0x1E000] =	vst v63  }
0x9d: {  	_ = 	snop  }
0x9e: {  	[spmem:s1] =	stream.indirect.scatter.add.f32 [tilespmem:s22], [sflag:$0x3], $0x80, s31, s25, $0xb8;
	[tilespmem:$0x1E000] =	vst v63  }
0x9f: {  	_ =	swait.ge [sflag:s23], $0x4000  }
0xa0: {  	[sflag:s23] =	ssyncset.done $0x0  }
0xa1: {  	[sflag:s23] =	ssyncadd.s32 $0xFFFFC000  }
0xa2: {  	s16 =	sadd.s32 $0x1, s16;
	_ =	swait.ge [sflag:s29], $0x4000  }
0xa3: {  	p1 =	sne.s32 s16, $0x5;
	[sflag:s29] =	ssyncset.done $0x0  }
.Ltmp5:
0xa4: {  	[sflag:s29] =	ssyncadd.s32 $0xFFFFC000;
	(pc) =	sbr.rel @p1 .LBB2_8-.Ltmp5, $4  }
0xa5: {  	[spmem:s1] =	stream.indirect.scatter.add.f32 [tilespmem:s28], [sflag:$0x3], $0x80, s0, s25, $0xb8;
	[tilespmem:$0x1E000] =	vst v63  }
0xa6: {  	_ =	swait.ge [sflag:s23], $0x4000  }
0xa7: {  	[sflag:s23] =	ssyncset.done $0x0  }
0xa8: {  	[sflag:s23] =	ssyncadd.s32 $0xFFFFC000  }
.Ltmp6:
0xa9: {  	(pc) =	sbr.rel .LBB2_12-.Ltmp6, $2  }
0xaa: {  	_ =	sdelay $0x2  }
0xab: {  	s8 =	rddreg [dreg:$0x4]  }
.LBB2_4:
0xac: {  	s16 =	sshll.u32 s9, $0xC  }
0xad: {  	s16 =	sadd.s32 s15, s16  }
0xae: {  	s16 =	sshrl.u32 s16, $0x3  }
0xaf: {  	s17 =	sadd.s32 s6, s16  }
0xb0: {  	[tilespmem:s8], [sflag:$0x3] =	stream.linear.gather [hbm4b:s17+s8], $0x1000, $0x38;
	[tilespmem:$0x1E000] =	vst v63  }
0xb1: {  	_ =	swait.ge [sflag:s23], $0x1000  }
0xb2: {  	[sflag:s23] =	ssyncset.done $0x0  }
0xb3: {  	s16 =	sadd.s32 s7, s16;
	[sflag:s23] =	ssyncadd.s32 $0xFFFFF000  }
0xb4: {  	[tilespmem:s24], [sflag:$0x3] =	stream.linear.gather [hbm4b:s16+s8], $0x1000, $0x38;
	[tilespmem:$0x1E000] =	vst v63  }
0xb5: {  	_ =	swait.ge [sflag:s23], $0x1000  }
0xb6: {  	[sflag:s23] =	ssyncset.done $0x0  }
0xb7: {  	[sflag:s23] =	ssyncadd.s32 $0xFFFFF000  }
0xb8: {  	[tilespmem:s22], [sflag:$0x1] =	stream.indirect.gather [hbm4b:s4+s25], $0x80, s8, s25, $0xb8;
	[tilespmem:$0x1E000] =	vst v63  }
0xb9: {  	_ =	swait.ge [sflag:s26], $0x4000  }
0xba: {  	[sflag:s26] =	ssyncset.done $0x0  }
0xbb: {  	s17 =	simm.s32 $0x80;
	[sflag:s26] =	ssyncadd.s32 $0xFFFFC000  }
0xbc: {  	[tilespmem:s28], [sflag:$0x2] =	stream.indirect.gather [hbm4b:s4+s25], $0x80, s17, s25, $0xb8;
	[tilespmem:$0x1E000] =	vst v63  }
0xbd: {  	s18 =	simm.s32 $0x1000  }
0xbe: {  	[spmem:s1] =	stream.indirect.scatter.add.f32 [tilespmem:s22], [sflag:$0x3], $0x80, s18, s25, $0xb8;
	[tilespmem:$0x1E000] =	vst v63  }
0xbf: {  	_ =	swait.ge [sflag:s23], $0x4000  }
0xc0: {  	[sflag:s23] =	ssyncset.done $0x0  }
0xc1: {  	[sflag:s23] =	ssyncadd.s32 $0xFFFFC000  }
0xc2: {  	_ =	swait.ge [sflag:s29], $0x4000  }
0xc3: {  	[sflag:s29] =	ssyncset.done $0x0  }
0xc4: {  	s17 =	simm.s32 $0x100;
	[sflag:s29] =	ssyncadd.s32 $0xFFFFC000  }
0xc5: {  	[tilespmem:s22], [sflag:$0x1] =	stream.indirect.gather [hbm4b:s4+s25], $0x80, s17, s25, $0xb8;
	[tilespmem:$0x1E000] =	vst v63  }
0xc6: {  	s18 =	simm.s32 $0x1080  }
0xc7: {  	[spmem:s1] =	stream.indirect.scatter.add.f32 [tilespmem:s28], [sflag:$0x3], $0x80, s18, s25, $0xb8;
	[tilespmem:$0x1E000] =	vst v63  }
0xc8: {  	_ =	swait.ge [sflag:s23], $0x4000  }
0xc9: {  	s16 =	simm.s32 $0x400;
	[sflag:s23] =	ssyncset.done $0x0  }
.LBB2_5:
0xca: {  	p1 =	sne.s32 s16, $0x3800  }
0xcb: {  	[sflag:s23] =	ssyncadd.s32 $0xFFFFC000;
	s17 =	smov.u32 s16;
	s16 =	sadd.s32 $0x400, s16  }
0xcc: {  	_ = 	snop  }
0xcd: {  	_ =	swait.ge [sflag:s26], $0x4000  }
0xce: {  	s17 =	sshra.s32 s17, $0x2;
	[sflag:s26] =	ssyncset.done $0x0  }
0xcf: {  	s18 =	sadd.s32 $0x80, s17;
	[sflag:s26] =	ssyncadd.s32 $0xFFFFC000  }
0xd0: {  	[tilespmem:s28], [sflag:$0x2] =	stream.indirect.gather [hbm4b:s4+s25], $0x80, s18, s25, $0xb8;
	[tilespmem:$0x1E000] =	vst v63  }
0xd1: {  	s18 =	sadd.s32 $0x1000, s17  }
0xd2: {  	[spmem:s1] =	stream.indirect.scatter.add.f32 [tilespmem:s22], [sflag:$0x3], $0x80, s18, s25, $0xb8;
	[tilespmem:$0x1E000] =	vst v63  }
0xd3: {  	_ =	swait.ge [sflag:s23], $0x4000  }
0xd4: {  	[sflag:s23] =	ssyncset.done $0x0  }
0xd5: {  	[sflag:s23] =	ssyncadd.s32 $0xFFFFC000  }
0xd6: {  	_ =	swait.ge [sflag:s29], $0x4000  }
0xd7: {  	[sflag:s29] =	ssyncset.done $0x0  }
0xd8: {  	s18 =	sadd.s32 $0x100, s17;
	[sflag:s29] =	ssyncadd.s32 $0xFFFFC000  }
0xd9: {  	[tilespmem:s22], [sflag:$0x1] =	stream.indirect.gather [hbm4b:s4+s25], $0x80, s18, s25, $0xb8;
	[tilespmem:$0x1E000] =	vst v63  }
.Ltmp7:
0xda: {  	_ = 	snop;
	(pc) =	sbr.rel @p1 .LBB2_5-.Ltmp7, $4  }
0xdb: {  	s17 =	sadd.s32 $0x1080, s17  }
0xdc: {  	[spmem:s1] =	stream.indirect.scatter.add.f32 [tilespmem:s28], [sflag:$0x3], $0x80, s17, s25, $0xb8;
	[tilespmem:$0x1E000] =	vst v63  }
0xdd: {  	_ =	swait.ge [sflag:s23], $0x4000  }
0xde: {  	[sflag:s23] =	ssyncset.done $0x0  }
0xdf: {  	[sflag:s23] =	ssyncadd.s32 $0xFFFFC000  }
0xe0: {  	_ =	swait.ge [sflag:s26], $0x4000  }
0xe1: {  	[sflag:s26] =	ssyncset.done $0x0  }
0xe2: {  	[sflag:s26] =	ssyncadd.s32 $0xFFFFC000  }
0xe3: {  	[tilespmem:s28], [sflag:$0x2] =	stream.indirect.gather [hbm4b:s4+s25], $0x80, s30, s25, $0xb8;
	[tilespmem:$0x1E000] =	vst v63  }
0xe4: {  	_ = 	snop  }
0xe5: {  	[spmem:s1] =	stream.indirect.scatter.add.f32 [tilespmem:s22], [sflag:$0x3], $0x80, s31, s25, $0xb8;
	[tilespmem:$0x1E000] =	vst v63  }
0xe6: {  	_ =	swait.ge [sflag:s23], $0x4000  }
0xe7: {  	[sflag:s23] =	ssyncset.done $0x0  }
0xe8: {  	[sflag:s23] =	ssyncadd.s32 $0xFFFFC000  }
0xe9: {  	s9 =	sadd.s32 $0x1, s9;
	_ =	swait.ge [sflag:s29], $0x4000  }
0xea: {  	p1 =	seq.s32 s9, $0x5;
	[sflag:s29] =	ssyncset.done $0x0  }
.Ltmp8:
0xeb: {  	[sflag:s29] =	ssyncadd.s32 $0xFFFFC000;
	(pc) =	sbr.rel @!p1 .LBB2_4-.Ltmp8, $4  }
0xec: {  	[spmem:s1] =	stream.indirect.scatter.add.f32 [tilespmem:s28], [sflag:$0x3], $0x80, s0, s25, $0xb8;
	[tilespmem:$0x1E000] =	vst v63  }
0xed: {  	_ =	swait.ge [sflag:s23], $0x4000  }
0xee: {  	[sflag:s23] =	ssyncset.done $0x0  }
0xef: {  	[sflag:s23] =	ssyncadd.s32 $0xFFFFC000  }
.Ltmp9:
0xf0: {  	(pc) =	sbr.rel .LBB2_12-.Ltmp9, $2  }
0xf1: {  	_ =	sdelay $0x2  }
0xf2: {  	s8 =	rddreg [dreg:$0x3]  }
.LBB2_13:
0xf3: {  	_ =	sfence.sel $0x180000  }
0xf4: {  	[bflag:$0x0] =	sbarrier.arrive $0xFFFF  }
0xf5: {  	_ =	strace $0x90000047  }
0xf6: {  	s0 =	stileid.u32;
	[bflag:$0x2] =	sbarrier.arrive $0xFFFF  }
0xf7: {  	p0 =	sne.s32 s0, $0x0;
	s0 =	rddreg [dreg:$0x2]  }
0xf8: {  	s0 =	sadd.s32 @!p0 $0x100000, s0  }
0xf9: {  	[sflag:s0] =	ssyncadd.tile.s32 @!p0 $0x1;
	_ =	shalt  }
.Lfunc_end2:
_tile_overlayer_lowered:
.L_overlay_start_2:
0xfa: {  	(tag) =	ssettag $0x2  }
0xfb: {  	s0 =	rddreg [dreg:$0x0];
	s2 =	stileid.u32  }
0xfc: {  	s1 =	rddreg [dreg:$0x1];
	p0 =	sne.s32 s2, $0x0  }
0xfd: {  	s3 =	rddreg [dreg:$0x2];
	[bflag:$0x3] =	sbarrier.arrive $0xFFFF;
	s2 =	simm.s32 @!p0 $0x1C03  }
0xfe: {  	[timem:s3], [sflag:s2] =	dma.local @!p0 [hbm:s0], s1  }
0xff: {  	s0 =	simm.s32 @!p0 $0x3  }
0x100: {  	_ =	swait.ge @!p0 [sflag:s0], s1  }
0x101: {  	s1 =	ssub.s32 @!p0 $0x0, s1;
	[sflag:s0] =	ssyncset.done @!p0 $0x0  }
0x102: {  	[sflag:s0] =	ssyncadd.s32 @!p0 s1  }
0x103: {  	[bflag:$0x3] =	sbarrier.arrive $0xFFFF  }
0x104: {  	_ =	shalt  }

</sc_bundles>
